<compile_context>
chip_gen: v7x
topology: tpu7x:2x2x1
jax: 0.10.2.dev20260603
libtpu: 0.0.44.dev20260713+nightly
codegen_flags: <defaults>
</compile_context>

<pallas_src>
import functools

import jax
import jax.numpy as jnp
from jax import lax
from jax.experimental import pallas as pl
from jax.experimental.pallas import tpu as pltpu
from jax.experimental.pallas import tpu_sc as plsc

DIM = 128
CHUNK = 160
NBUF = 4


def _sc_onehot(xf):
    info = plsc.get_sparse_core_info()
    NC, NS = info.num_cores, info.num_subcores
    NW = NC * NS
    B = xf.shape[0]
    b_per_w = B // NW
    n_chunks = b_per_w // CHUNK
    assert n_chunks % NBUF == 0
    mesh = plsc.VectorSubcoreMesh(core_axis_name="c", subcore_axis_name="s")

    @functools.partial(
        pl.kernel,
        mesh=mesh,
        compiler_params=pltpu.CompilerParams(needs_layout_passes=False),
        out_type=jax.ShapeDtypeStruct((B * DIM,), jnp.float32),
        scratch_types=[
            pltpu.VMEM((b_per_w,), jnp.int32),
        ]
        + [pltpu.VMEM((CHUNK * DIM,), jnp.float32)] * NBUF
        + [pltpu.SemaphoreType.DMA] * (NBUF + 1),
    )
    def k(x_hbm, out_hbm, idx_v, *rest):
        bufs = rest[:NBUF]
        sems = rest[NBUF : 2 * NBUF]
        isem = rest[2 * NBUF]
        wid = lax.axis_index("s") * NC + lax.axis_index("c")
        base = wid * b_per_w
        idx_cp = pltpu.async_copy(x_hbm.at[pl.ds(base, b_per_w)], idx_v, isem)

        lanes = lax.iota(jnp.int32, 16)
        col = lanes * DIM
        ones16 = jnp.ones((16,), jnp.float32)
        zeros16 = jnp.zeros((16,), jnp.float32)

        def memset(buf):
            def memset_body(j, _):
                for u in range(16):
                    buf[pl.ds(j * 256 + u * 16, 16)] = zeros16
                return 0

            lax.fori_loop(0, CHUNK * DIM // 256, memset_body, 0)

        def fill(buf, g):
            for j in range(CHUNK // 16):
                iv = idx_v[pl.ds(g * CHUNK + j * 16, 16)]
                plsc.store_scatter(buf, [col + j * 16 * DIM + iv], ones16)

        def clear(buf, g):
            for j in range(CHUNK // 16):
                iv = idx_v[pl.ds(g * CHUNK + j * 16, 16)]
                plsc.store_scatter(buf, [col + j * 16 * DIM + iv], zeros16)

        def start(buf, sem, g):
            return pltpu.async_copy(
                buf, out_hbm.at[pl.ds((base + g * CHUNK) * DIM, CHUNK * DIM)], sem
            )

        memset(bufs[0])
        idx_cp.wait()
        for b in range(NBUF):
            if b:
                memset(bufs[b])
            fill(bufs[b], b)
            start(bufs[b], sems[b], b)

        def loop_body(gq, _):
            for b in range(NBUF):
                g = NBUF * gq + b
                pltpu.make_async_copy(
                    bufs[b],
                    out_hbm.at[pl.ds((base + g * CHUNK) * DIM, CHUNK * DIM)],
                    sems[b],
                ).wait()
                clear(bufs[b], g - NBUF)
                fill(bufs[b], g)
                start(bufs[b], sems[b], g)
            return 0

        lax.fori_loop(1, n_chunks // NBUF, loop_body, 0)

        for b in range(NBUF):
            g = n_chunks - NBUF + b
            pltpu.make_async_copy(
                bufs[b],
                out_hbm.at[pl.ds((base + g * CHUNK) * DIM, CHUNK * DIM)],
                sems[b],
            ).wait()

    return k(xf)


def kernel(x, I):
    del I
    R0, R1 = x.shape
    out = _sc_onehot(x.reshape(-1).astype(jnp.int32))
    return out.reshape(R0, R1, DIM)

# --- scband reference (transcript-rebuilt; emitter-appended) ---
"""Pipeline reference for scband-positional-encoding-34041910788390 (READ-ONLY COPY).

The authoritative reference and input builder live on the scoring server;
editing this copy changes nothing except your own understanding.
"""

import jax, jax.numpy as jnp
import numpy as np

DIM = 128

def setup_inputs(seed: int = 0) -> dict:
    key = jax.random.key(seed)
    k1, = jax.random.split(key, 1)
    x = jax.random.randint(k1, (4096, 200), 0, DIM, dtype=jnp.int64)
    I = jnp.eye(DIM, dtype=jnp.float32)
    return {"x": x, "I": I}

def reference(x, I):
    # onehot mode: index_select rows of identity matrix, reshape to [*x.shape, dim]
    out_shape = list(x.shape) + [DIM]
    flat = x.reshape(-1).astype(jnp.int64)
    out = jnp.take(I, flat, axis=0)
    return out.reshape(out_shape)

if __name__ == "__main__":
    import jax
    _d = setup_inputs()
    print(jax.jit(kernel)(*tuple(_d.values())))

</pallas_src>

<mosaic_0001>
#map = affine_map<(d0, d1) -> (0)>
module attributes {stable_mosaic.version = 14 : i64} {
  func.func @k(%arg0: i32, %arg1: i32, %arg2: memref<819200xi32, #tpu.memory_space<hbm>>, %arg3: memref<104857600xf32, #tpu.memory_space<hbm>>, %arg4: memref<25600xi32, #tpu.memory_space<vmem>>, %arg5: memref<20480xf32, #tpu.memory_space<vmem>>, %arg6: memref<20480xf32, #tpu.memory_space<vmem>>, %arg7: memref<20480xf32, #tpu.memory_space<vmem>>, %arg8: memref<20480xf32, #tpu.memory_space<vmem>>, %arg9: memref<!tpu.dma_semaphore, #tpu.memory_space<semaphore_mem>>, %arg10: memref<!tpu.dma_semaphore, #tpu.memory_space<semaphore_mem>>, %arg11: memref<!tpu.dma_semaphore, #tpu.memory_space<semaphore_mem>>, %arg12: memref<!tpu.dma_semaphore, #tpu.memory_space<semaphore_mem>>, %arg13: memref<!tpu.dma_semaphore, #tpu.memory_space<semaphore_mem>>) attributes {dimension_semantics = [#tpu.dimension_semantics<core_parallel>, #tpu.dimension_semantics<subcore_parallel>], iteration_bounds = array<i64: 2, 16>, scalar_prefetch = 0 : i64, scratch_operands = 10 : i64, tpu.core_type = #tpu.core_type<sc_vector_subcore>, window_params = [{transform_indices = #map}, {transform_indices = #map}]} {
    %mul3A = arith.constant 2 : i32
    %mul3A_0 = arith.muli %arg1, %mul3A : i32
    %add3A = arith.addi %mul3A_0, %arg0 : i32
    %mul3A_1 = arith.constant 25600 : i32
    %mul3A_2 = arith.muli %add3A, %mul3A_1 : i32
    %dma_start3A = tpu.memref_slice %arg2[%mul3A_2] : memref<819200xi32, #tpu.memory_space<hbm>> -> memref<25600xi32, #tpu.memory_space<hbm>>
    %dma_start3A_3 = tpu.memref_slice %arg2[%mul3A_2] : memref<819200xi32, #tpu.memory_space<hbm>> -> memref<25600xi32, #tpu.memory_space<hbm>>
    tpu.enqueue_dma source(%dma_start3A_3 : memref<25600xi32, #tpu.memory_space<hbm>>) target(%arg4 : memref<25600xi32, #tpu.memory_space<vmem>>) target_semaphore(%arg13 : memref<!tpu.dma_semaphore, #tpu.memory_space<semaphore_mem>>)
    %iota3A = tpu.iota {dimensions = array<i32: 0>} : vector<16xi32>
    %mul3A_4 = arith.constant 128 : i32
    %mul3A_5 = vector.broadcast %mul3A_4 : i32 to vector<16xi32>
    %mul3A_6 = arith.muli %iota3A, %mul3A_5 : vector<16xi32>
    %broadcast_in_dim3A = arith.constant 1.000000e+00 : f32
    %broadcast_in_dim3A_7 = vector.broadcast %broadcast_in_dim3A : f32 to vector<16xf32>
    %broadcast_in_dim3A_8 = arith.constant 0.000000e+00 : f32
    %broadcast_in_dim3A_9 = vector.broadcast %broadcast_in_dim3A_8 : f32 to vector<16xf32>
    %scan3A = arith.constant 0 : i32
    %scan3A_10 = arith.constant 0 : i32
    %scan3A_11 = arith.constant 80 : i32
    %scan3A_12 = arith.addi %scan3A_10, %scan3A_11 : i32
    %scan3A_13 = arith.constant 1 : i32
    %scan3A_14 = scf.for %scan3A_332 = %scan3A_10 to %scan3A_12 step %scan3A_13 iter_args(%scan3A_333 = %scan3A) -> (i32)  : i32 {
      %mul3A_334 = arith.constant 256 : i32
      %mul3A_335 = arith.muli %scan3A_332, %mul3A_334 : i32
      %add3A_336 = arith.constant 0 : i32
      %add3A_337 = arith.addi %mul3A_335, %add3A_336 : i32
      %swap3A = arith.index_cast %add3A_337 : i32 to index
      %swap3A_338 = tpu.vector_load %arg5[%swap3A] {strides = array<i32>} : memref<20480xf32, #tpu.memory_space<vmem>>, vector<16xf32>,
      tpu.vector_store %arg5[%swap3A], %broadcast_in_dim3A_9 {strides = array<i32>} : memref<20480xf32, #tpu.memory_space<vmem>>, vector<16xf32>,
      %mul3A_339 = arith.constant 256 : i32
      %mul3A_340 = arith.muli %scan3A_332, %mul3A_339 : i32
      %add3A_341 = arith.constant 16 : i32
      %add3A_342 = arith.addi %mul3A_340, %add3A_341 : i32
      %swap3A_343 = arith.index_cast %add3A_342 : i32 to index
      %swap3A_344 = tpu.vector_load %arg5[%swap3A_343] {strides = array<i32>} : memref<20480xf32, #tpu.memory_space<vmem>>, vector<16xf32>,
      tpu.vector_store %arg5[%swap3A_343], %broadcast_in_dim3A_9 {strides = array<i32>} : memref<20480xf32, #tpu.memory_space<vmem>>, vector<16xf32>,
      %mul3A_345 = arith.constant 256 : i32
      %mul3A_346 = arith.muli %scan3A_332, %mul3A_345 : i32
      %add3A_347 = arith.constant 32 : i32
      %add3A_348 = arith.addi %mul3A_346, %add3A_347 : i32
      %swap3A_349 = arith.index_cast %add3A_348 : i32 to index
      %swap3A_350 = tpu.vector_load %arg5[%swap3A_349] {strides = array<i32>} : memref<20480xf32, #tpu.memory_space<vmem>>, vector<16xf32>,
      tpu.vector_store %arg5[%swap3A_349], %broadcast_in_dim3A_9 {strides = array<i32>} : memref<20480xf32, #tpu.memory_space<vmem>>, vector<16xf32>,
      %mul3A_351 = arith.constant 256 : i32
      %mul3A_352 = arith.muli %scan3A_332, %mul3A_351 : i32
      %add3A_353 = arith.constant 48 : i32
      %add3A_354 = arith.addi %mul3A_352, %add3A_353 : i32
      %swap3A_355 = arith.index_cast %add3A_354 : i32 to index
      %swap3A_356 = tpu.vector_load %arg5[%swap3A_355] {strides = array<i32>} : memref<20480xf32, #tpu.memory_space<vmem>>, vector<16xf32>,
      tpu.vector_store %arg5[%swap3A_355], %broadcast_in_dim3A_9 {strides = array<i32>} : memref<20480xf32, #tpu.memory_space<vmem>>, vector<16xf32>,
      %mul3A_357 = arith.constant 256 : i32
      %mul3A_358 = arith.muli %scan3A_332, %mul3A_357 : i32
      %add3A_359 = arith.constant 64 : i32
      %add3A_360 = arith.addi %mul3A_358, %add3A_359 : i32
      %swap3A_361 = arith.index_cast %add3A_360 : i32 to index
      %swap3A_362 = tpu.vector_load %arg5[%swap3A_361] {strides = array<i32>} : memref<20480xf32, #tpu.memory_space<vmem>>, vector<16xf32>,
      tpu.vector_store %arg5[%swap3A_361], %broadcast_in_dim3A_9 {strides = array<i32>} : memref<20480xf32, #tpu.memory_space<vmem>>, vector<16xf32>,
      %mul3A_363 = arith.constant 256 : i32
      %mul3A_364 = arith.muli %scan3A_332, %mul3A_363 : i32
      %add3A_365 = arith.constant 80 : i32
      %add3A_366 = arith.addi %mul3A_364, %add3A_365 : i32
      %swap3A_367 = arith.index_cast %add3A_366 : i32 to index
      %swap3A_368 = tpu.vector_load %arg5[%swap3A_367] {strides = array<i32>} : memref<20480xf32, #tpu.memory_space<vmem>>, vector<16xf32>,
      tpu.vector_store %arg5[%swap3A_367], %broadcast_in_dim3A_9 {strides = array<i32>} : memref<20480xf32, #tpu.memory_space<vmem>>, vector<16xf32>,
      %mul3A_369 = arith.constant 256 : i32
      %mul3A_370 = arith.muli %scan3A_332, %mul3A_369 : i32
      %add3A_371 = arith.constant 96 : i32
      %add3A_372 = arith.addi %mul3A_370, %add3A_371 : i32
      %swap3A_373 = arith.index_cast %add3A_372 : i32 to index
      %swap3A_374 = tpu.vector_load %arg5[%swap3A_373] {strides = array<i32>} : memref<20480xf32, #tpu.memory_space<vmem>>, vector<16xf32>,
      tpu.vector_store %arg5[%swap3A_373], %broadcast_in_dim3A_9 {strides = array<i32>} : memref<20480xf32, #tpu.memory_space<vmem>>, vector<16xf32>,
      %mul3A_375 = arith.constant 256 : i32
      %mul3A_376 = arith.muli %scan3A_332, %mul3A_375 : i32
      %add3A_377 = arith.constant 112 : i32
      %add3A_378 = arith.addi %mul3A_376, %add3A_377 : i32
      %swap3A_379 = arith.index_cast %add3A_378 : i32 to index
      %swap3A_380 = tpu.vector_load %arg5[%swap3A_379] {strides = array<i32>} : memref<20480xf32, #tpu.memory_space<vmem>>, vector<16xf32>,
      tpu.vector_store %arg5[%swap3A_379], %broadcast_in_dim3A_9 {strides = array<i32>} : memref<20480xf32, #tpu.memory_space<vmem>>, vector<16xf32>,
      %mul3A_381 = arith.constant 256 : i32
      %mul3A_382 = arith.muli %scan3A_332, %mul3A_381 : i32
      %add3A_383 = arith.constant 128 : i32
      %add3A_384 = arith.addi %mul3A_382, %add3A_383 : i32
      %swap3A_385 = arith.index_cast %add3A_384 : i32 to index
      %swap3A_386 = tpu.vector_load %arg5[%swap3A_385] {strides = array<i32>} : memref<20480xf32, #tpu.memory_space<vmem>>, vector<16xf32>,
      tpu.vector_store %arg5[%swap3A_385], %broadcast_in_dim3A_9 {strides = array<i32>} : memref<20480xf32, #tpu.memory_space<vmem>>, vector<16xf32>,
      %mul3A_387 = arith.constant 256 : i32
      %mul3A_388 = arith.muli %scan3A_332, %mul3A_387 : i32
      %add3A_389 = arith.constant 144 : i32
      %add3A_390 = arith.addi %mul3A_388, %add3A_389 : i32
      %swap3A_391 = arith.index_cast %add3A_390 : i32 to index
      %swap3A_392 = tpu.vector_load %arg5[%swap3A_391] {strides = array<i32>} : memref<20480xf32, #tpu.memory_space<vmem>>, vector<16xf32>,
      tpu.vector_store %arg5[%swap3A_391], %broadcast_in_dim3A_9 {strides = array<i32>} : memref<20480xf32, #tpu.memory_space<vmem>>, vector<16xf32>,
      %mul3A_393 = arith.constant 256 : i32
      %mul3A_394 = arith.muli %scan3A_332, %mul3A_393 : i32
      %add3A_395 = arith.constant 160 : i32
      %add3A_396 = arith.addi %mul3A_394, %add3A_395 : i32
      %swap3A_397 = arith.index_cast %add3A_396 : i32 to index
      %swap3A_398 = tpu.vector_load %arg5[%swap3A_397] {strides = array<i32>} : memref<20480xf32, #tpu.memory_space<vmem>>, vector<16xf32>,
      tpu.vector_store %arg5[%swap3A_397], %broadcast_in_dim3A_9 {strides = array<i32>} : memref<20480xf32, #tpu.memory_space<vmem>>, vector<16xf32>,
      %mul3A_399 = arith.constant 256 : i32
      %mul3A_400 = arith.muli %scan3A_332, %mul3A_399 : i32
      %add3A_401 = arith.constant 176 : i32
      %add3A_402 = arith.addi %mul3A_400, %add3A_401 : i32
      %swap3A_403 = arith.index_cast %add3A_402 : i32 to index
      %swap3A_404 = tpu.vector_load %arg5[%swap3A_403] {strides = array<i32>} : memref<20480xf32, #tpu.memory_space<vmem>>, vector<16xf32>,
      tpu.vector_store %arg5[%swap3A_403], %broadcast_in_dim3A_9 {strides = array<i32>} : memref<20480xf32, #tpu.memory_space<vmem>>, vector<16xf32>,
      %mul3A_405 = arith.constant 256 : i32
      %mul3A_406 = arith.muli %scan3A_332, %mul3A_405 : i32
      %add3A_407 = arith.constant 192 : i32
      %add3A_408 = arith.addi %mul3A_406, %add3A_407 : i32
      %swap3A_409 = arith.index_cast %add3A_408 : i32 to index
      %swap3A_410 = tpu.vector_load %arg5[%swap3A_409] {strides = array<i32>} : memref<20480xf32, #tpu.memory_space<vmem>>, vector<16xf32>,
      tpu.vector_store %arg5[%swap3A_409], %broadcast_in_dim3A_9 {strides = array<i32>} : memref<20480xf32, #tpu.memory_space<vmem>>, vector<16xf32>,
      %mul3A_411 = arith.constant 256 : i32
      %mul3A_412 = arith.muli %scan3A_332, %mul3A_411 : i32
      %add3A_413 = arith.constant 208 : i32
      %add3A_414 = arith.addi %mul3A_412, %add3A_413 : i32
      %swap3A_415 = arith.index_cast %add3A_414 : i32 to index
      %swap3A_416 = tpu.vector_load %arg5[%swap3A_415] {strides = array<i32>} : memref<20480xf32, #tpu.memory_space<vmem>>, vector<16xf32>,
      tpu.vector_store %arg5[%swap3A_415], %broadcast_in_dim3A_9 {strides = array<i32>} : memref<20480xf32, #tpu.memory_space<vmem>>, vector<16xf32>,
      %mul3A_417 = arith.constant 256 : i32
      %mul3A_418 = arith.muli %scan3A_332, %mul3A_417 : i32
      %add3A_419 = arith.constant 224 : i32
      %add3A_420 = arith.addi %mul3A_418, %add3A_419 : i32
      %swap3A_421 = arith.index_cast %add3A_420 : i32 to index
      %swap3A_422 = tpu.vector_load %arg5[%swap3A_421] {strides = array<i32>} : memref<20480xf32, #tpu.memory_space<vmem>>, vector<16xf32>,
      tpu.vector_store %arg5[%swap3A_421], %broadcast_in_dim3A_9 {strides = array<i32>} : memref<20480xf32, #tpu.memory_space<vmem>>, vector<16xf32>,
      %mul3A_423 = arith.constant 256 : i32
      %mul3A_424 = arith.muli %scan3A_332, %mul3A_423 : i32
      %add3A_425 = arith.constant 240 : i32
      %add3A_426 = arith.addi %mul3A_424, %add3A_425 : i32
      %swap3A_427 = arith.index_cast %add3A_426 : i32 to index
      %swap3A_428 = tpu.vector_load %arg5[%swap3A_427] {strides = array<i32>} : memref<20480xf32, #tpu.memory_space<vmem>>, vector<16xf32>,
      tpu.vector_store %arg5[%swap3A_427], %broadcast_in_dim3A_9 {strides = array<i32>} : memref<20480xf32, #tpu.memory_space<vmem>>, vector<16xf32>,
      %scan3A_429 = arith.constant 0 : i32
      scf.yield %scan3A_429 : i32
    }
    %scan3A_15 = arith.constant 80 : i32
    %dma_wait3A = tpu.memref_slice %arg2[%mul3A_2] : memref<819200xi32, #tpu.memory_space<hbm>> -> memref<25600xi32, #tpu.memory_space<hbm>>
    %dma_wait3A_16 = tpu.memref_slice %arg2[%mul3A_2] : memref<819200xi32, #tpu.memory_space<hbm>> -> memref<25600xi32, #tpu.memory_space<hbm>>
    tpu.wait_dma2 semaphore(%arg13 : memref<!tpu.dma_semaphore, #tpu.memory_space<semaphore_mem>>) src(%dma_wait3A_16 : memref<25600xi32, #tpu.memory_space<hbm>>) dst(%arg4 : memref<25600xi32, #tpu.memory_space<vmem>>)
    %get3A = arith.constant 0 : index
    %get3A_17 = tpu.vector_load %arg4[%get3A] {strides = array<i32>} : memref<25600xi32, #tpu.memory_space<vmem>>, vector<16xi32>,
    %add3A_18 = arith.constant 0 : i32
    %add3A_19 = vector.broadcast %add3A_18 : i32 to vector<16xi32>
    %add3A_20 = arith.addi %mul3A_6, %add3A_19 : vector<16xi32>
    %add3A_21 = arith.addi %add3A_20, %get3A_17 : vector<16xi32>
    tpu.vector_store_idx %arg5[%add3A_21], %broadcast_in_dim3A_7 : memref<20480xf32, #tpu.memory_space<vmem>>[vector<16xi32>], vector<16xf32>,
    %get3A_22 = arith.constant 16 : index
    %get3A_23 = tpu.vector_load %arg4[%get3A_22] {strides = array<i32>} : memref<25600xi32, #tpu.memory_space<vmem>>, vector<16xi32>,
    %add3A_24 = arith.constant 2048 : i32
    %add3A_25 = vector.broadcast %add3A_24 : i32 to vector<16xi32>
    %add3A_26 = arith.addi %mul3A_6, %add3A_25 : vector<16xi32>
    %add3A_27 = arith.addi %add3A_26, %get3A_23 : vector<16xi32>
    tpu.vector_store_idx %arg5[%add3A_27], %broadcast_in_dim3A_7 : memref<20480xf32, #tpu.memory_space<vmem>>[vector<16xi32>], vector<16xf32>,
    %get3A_28 = arith.constant 32 : index
    %get3A_29 = tpu.vector_load %arg4[%get3A_28] {strides = array<i32>} : memref<25600xi32, #tpu.memory_space<vmem>>, vector<16xi32>,
    %add3A_30 = arith.constant 4096 : i32
    %add3A_31 = vector.broadcast %add3A_30 : i32 to vector<16xi32>
    %add3A_32 = arith.addi %mul3A_6, %add3A_31 : vector<16xi32>
    %add3A_33 = arith.addi %add3A_32, %get3A_29 : vector<16xi32>
    tpu.vector_store_idx %arg5[%add3A_33], %broadcast_in_dim3A_7 : memref<20480xf32, #tpu.memory_space<vmem>>[vector<16xi32>], vector<16xf32>,
    %get3A_34 = arith.constant 48 : index
    %get3A_35 = tpu.vector_load %arg4[%get3A_34] {strides = array<i32>} : memref<25600xi32, #tpu.memory_space<vmem>>, vector<16xi32>,
    %add3A_36 = arith.constant 6144 : i32
    %add3A_37 = vector.broadcast %add3A_36 : i32 to vector<16xi32>
    %add3A_38 = arith.addi %mul3A_6, %add3A_37 : vector<16xi32>
    %add3A_39 = arith.addi %add3A_38, %get3A_35 : vector<16xi32>
    tpu.vector_store_idx %arg5[%add3A_39], %broadcast_in_dim3A_7 : memref<20480xf32, #tpu.memory_space<vmem>>[vector<16xi32>], vector<16xf32>,
    %get3A_40 = arith.constant 64 : index
    %get3A_41 = tpu.vector_load %arg4[%get3A_40] {strides = array<i32>} : memref<25600xi32, #tpu.memory_space<vmem>>, vector<16xi32>,
    %add3A_42 = arith.constant 8192 : i32
    %add3A_43 = vector.broadcast %add3A_42 : i32 to vector<16xi32>
    %add3A_44 = arith.addi %mul3A_6, %add3A_43 : vector<16xi32>
    %add3A_45 = arith.addi %add3A_44, %get3A_41 : vector<16xi32>
    tpu.vector_store_idx %arg5[%add3A_45], %broadcast_in_dim3A_7 : memref<20480xf32, #tpu.memory_space<vmem>>[vector<16xi32>], vector<16xf32>,
    %get3A_46 = arith.constant 80 : index
    %get3A_47 = tpu.vector_load %arg4[%get3A_46] {strides = array<i32>} : memref<25600xi32, #tpu.memory_space<vmem>>, vector<16xi32>,
    %add3A_48 = arith.constant 10240 : i32
    %add3A_49 = vector.broadcast %add3A_48 : i32 to vector<16xi32>
    %add3A_50 = arith.addi %mul3A_6, %add3A_49 : vector<16xi32>
    %add3A_51 = arith.addi %add3A_50, %get3A_47 : vector<16xi32>
    tpu.vector_store_idx %arg5[%add3A_51], %broadcast_in_dim3A_7 : memref<20480xf32, #tpu.memory_space<vmem>>[vector<16xi32>], vector<16xf32>,
    %get3A_52 = arith.constant 96 : index
    %get3A_53 = tpu.vector_load %arg4[%get3A_52] {strides = array<i32>} : memref<25600xi32, #tpu.memory_space<vmem>>, vector<16xi32>,
    %add3A_54 = arith.constant 12288 : i32
    %add3A_55 = vector.broadcast %add3A_54 : i32 to vector<16xi32>
    %add3A_56 = arith.addi %mul3A_6, %add3A_55 : vector<16xi32>
    %add3A_57 = arith.addi %add3A_56, %get3A_53 : vector<16xi32>
    tpu.vector_store_idx %arg5[%add3A_57], %broadcast_in_dim3A_7 : memref<20480xf32, #tpu.memory_space<vmem>>[vector<16xi32>], vector<16xf32>,
    %get3A_58 = arith.constant 112 : index
    %get3A_59 = tpu.vector_load %arg4[%get3A_58] {strides = array<i32>} : memref<25600xi32, #tpu.memory_space<vmem>>, vector<16xi32>,
    %add3A_60 = arith.constant 14336 : i32
    %add3A_61 = vector.broadcast %add3A_60 : i32 to vector<16xi32>
    %add3A_62 = arith.addi %mul3A_6, %add3A_61 : vector<16xi32>
    %add3A_63 = arith.addi %add3A_62, %get3A_59 : vector<16xi32>
    tpu.vector_store_idx %arg5[%add3A_63], %broadcast_in_dim3A_7 : memref<20480xf32, #tpu.memory_space<vmem>>[vector<16xi32>], vector<16xf32>,
    %get3A_64 = arith.constant 128 : index
    %get3A_65 = tpu.vector_load %arg4[%get3A_64] {strides = array<i32>} : memref<25600xi32, #tpu.memory_space<vmem>>, vector<16xi32>,
    %add3A_66 = arith.constant 16384 : i32
    %add3A_67 = vector.broadcast %add3A_66 : i32 to vector<16xi32>
    %add3A_68 = arith.addi %mul3A_6, %add3A_67 : vector<16xi32>
    %add3A_69 = arith.addi %add3A_68, %get3A_65 : vector<16xi32>
    tpu.vector_store_idx %arg5[%add3A_69], %broadcast_in_dim3A_7 : memref<20480xf32, #tpu.memory_space<vmem>>[vector<16xi32>], vector<16xf32>,
    %get3A_70 = arith.constant 144 : index
    %get3A_71 = tpu.vector_load %arg4[%get3A_70] {strides = array<i32>} : memref<25600xi32, #tpu.memory_space<vmem>>, vector<16xi32>,
    %add3A_72 = arith.constant 18432 : i32
    %add3A_73 = vector.broadcast %add3A_72 : i32 to vector<16xi32>
    %add3A_74 = arith.addi %mul3A_6, %add3A_73 : vector<16xi32>
    %add3A_75 = arith.addi %add3A_74, %get3A_71 : vector<16xi32>
    tpu.vector_store_idx %arg5[%add3A_75], %broadcast_in_dim3A_7 : memref<20480xf32, #tpu.memory_space<vmem>>[vector<16xi32>], vector<16xf32>,
    %add3A_76 = arith.constant 0 : i32
    %add3A_77 = arith.addi %mul3A_2, %add3A_76 : i32
    %mul3A_78 = arith.constant 128 : i32
    %mul3A_79 = arith.muli %add3A_77, %mul3A_78 : i32
    %dma_start3A_80 = tpu.memref_slice %arg3[%mul3A_79] : memref<104857600xf32, #tpu.memory_space<hbm>> -> memref<20480xf32, #tpu.memory_space<hbm>>
    %dma_start3A_81 = tpu.memref_slice %arg3[%mul3A_79] : memref<104857600xf32, #tpu.memory_space<hbm>> -> memref<20480xf32, #tpu.memory_space<hbm>>
    tpu.enqueue_dma source(%arg5 : memref<20480xf32, #tpu.memory_space<vmem>>) target(%dma_start3A_81 : memref<20480xf32, #tpu.memory_space<hbm>>) target_semaphore(%arg9 : memref<!tpu.dma_semaphore, #tpu.memory_space<semaphore_mem>>)
    %scan3A_82 = arith.constant 0 : i32
    %scan3A_83 = arith.constant 0 : i32
    %scan3A_84 = arith.constant 80 : i32
    %scan3A_85 = arith.addi %scan3A_83, %scan3A_84 : i32
    %scan3A_86 = arith.constant 1 : i32
    %scan3A_87 = scf.for %scan3A_332 = %scan3A_83 to %scan3A_85 step %scan3A_86 iter_args(%scan3A_333 = %scan3A_82) -> (i32)  : i32 {
      %mul3A_334 = arith.constant 256 : i32
      %mul3A_335 = arith.muli %scan3A_332, %mul3A_334 : i32
      %add3A_336 = arith.constant 0 : i32
      %add3A_337 = arith.addi %mul3A_335, %add3A_336 : i32
      %swap3A = arith.index_cast %add3A_337 : i32 to index
      %swap3A_338 = tpu.vector_load %arg6[%swap3A] {strides = array<i32>} : memref<20480xf32, #tpu.memory_space<vmem>>, vector<16xf32>,
      tpu.vector_store %arg6[%swap3A], %broadcast_in_dim3A_9 {strides = array<i32>} : memref<20480xf32, #tpu.memory_space<vmem>>, vector<16xf32>,
      %mul3A_339 = arith.constant 256 : i32
      %mul3A_340 = arith.muli %scan3A_332, %mul3A_339 : i32
      %add3A_341 = arith.constant 16 : i32
      %add3A_342 = arith.addi %mul3A_340, %add3A_341 : i32
      %swap3A_343 = arith.index_cast %add3A_342 : i32 to index
      %swap3A_344 = tpu.vector_load %arg6[%swap3A_343] {strides = array<i32>} : memref<20480xf32, #tpu.memory_space<vmem>>, vector<16xf32>,
      tpu.vector_store %arg6[%swap3A_343], %broadcast_in_dim3A_9 {strides = array<i32>} : memref<20480xf32, #tpu.memory_space<vmem>>, vector<16xf32>,
      %mul3A_345 = arith.constant 256 : i32
      %mul3A_346 = arith.muli %scan3A_332, %mul3A_345 : i32
      %add3A_347 = arith.constant 32 : i32
      %add3A_348 = arith.addi %mul3A_346, %add3A_347 : i32
      %swap3A_349 = arith.index_cast %add3A_348 : i32 to index
      %swap3A_350 = tpu.vector_load %arg6[%swap3A_349] {strides = array<i32>} : memref<20480xf32, #tpu.memory_space<vmem>>, vector<16xf32>,
      tpu.vector_store %arg6[%swap3A_349], %broadcast_in_dim3A_9 {strides = array<i32>} : memref<20480xf32, #tpu.memory_space<vmem>>, vector<16xf32>,
      %mul3A_351 = arith.constant 256 : i32
      %mul3A_352 = arith.muli %scan3A_332, %mul3A_351 : i32
      %add3A_353 = arith.constant 48 : i32
      %add3A_354 = arith.addi %mul3A_352, %add3A_353 : i32
      %swap3A_355 = arith.index_cast %add3A_354 : i32 to index
      %swap3A_356 = tpu.vector_load %arg6[%swap3A_355] {strides = array<i32>} : memref<20480xf32, #tpu.memory_space<vmem>>, vector<16xf32>,
      tpu.vector_store %arg6[%swap3A_355], %broadcast_in_dim3A_9 {strides = array<i32>} : memref<20480xf32, #tpu.memory_space<vmem>>, vector<16xf32>,
      %mul3A_357 = arith.constant 256 : i32
      %mul3A_358 = arith.muli %scan3A_332, %mul3A_357 : i32
      %add3A_359 = arith.constant 64 : i32
      %add3A_360 = arith.addi %mul3A_358, %add3A_359 : i32
      %swap3A_361 = arith.index_cast %add3A_360 : i32 to index
      %swap3A_362 = tpu.vector_load %arg6[%swap3A_361] {strides = array<i32>} : memref<20480xf32, #tpu.memory_space<vmem>>, vector<16xf32>,
      tpu.vector_store %arg6[%swap3A_361], %broadcast_in_dim3A_9 {strides = array<i32>} : memref<20480xf32, #tpu.memory_space<vmem>>, vector<16xf32>,
      %mul3A_363 = arith.constant 256 : i32
      %mul3A_364 = arith.muli %scan3A_332, %mul3A_363 : i32
      %add3A_365 = arith.constant 80 : i32
      %add3A_366 = arith.addi %mul3A_364, %add3A_365 : i32
      %swap3A_367 = arith.index_cast %add3A_366 : i32 to index
      %swap3A_368 = tpu.vector_load %arg6[%swap3A_367] {strides = array<i32>} : memref<20480xf32, #tpu.memory_space<vmem>>, vector<16xf32>,
      tpu.vector_store %arg6[%swap3A_367], %broadcast_in_dim3A_9 {strides = array<i32>} : memref<20480xf32, #tpu.memory_space<vmem>>, vector<16xf32>,
      %mul3A_369 = arith.constant 256 : i32
      %mul3A_370 = arith.muli %scan3A_332, %mul3A_369 : i32
      %add3A_371 = arith.constant 96 : i32
      %add3A_372 = arith.addi %mul3A_370, %add3A_371 : i32
      %swap3A_373 = arith.index_cast %add3A_372 : i32 to index
      %swap3A_374 = tpu.vector_load %arg6[%swap3A_373] {strides = array<i32>} : memref<20480xf32, #tpu.memory_space<vmem>>, vector<16xf32>,
      tpu.vector_store %arg6[%swap3A_373], %broadcast_in_dim3A_9 {strides = array<i32>} : memref<20480xf32, #tpu.memory_space<vmem>>, vector<16xf32>,
      %mul3A_375 = arith.constant 256 : i32
      %mul3A_376 = arith.muli %scan3A_332, %mul3A_375 : i32
      %add3A_377 = arith.constant 112 : i32
      %add3A_378 = arith.addi %mul3A_376, %add3A_377 : i32
      %swap3A_379 = arith.index_cast %add3A_378 : i32 to index
      %swap3A_380 = tpu.vector_load %arg6[%swap3A_379] {strides = array<i32>} : memref<20480xf32, #tpu.memory_space<vmem>>, vector<16xf32>,
      tpu.vector_store %arg6[%swap3A_379], %broadcast_in_dim3A_9 {strides = array<i32>} : memref<20480xf32, #tpu.memory_space<vmem>>, vector<16xf32>,
      %mul3A_381 = arith.constant 256 : i32
      %mul3A_382 = arith.muli %scan3A_332, %mul3A_381 : i32
      %add3A_383 = arith.constant 128 : i32
      %add3A_384 = arith.addi %mul3A_382, %add3A_383 : i32
      %swap3A_385 = arith.index_cast %add3A_384 : i32 to index
      %swap3A_386 = tpu.vector_load %arg6[%swap3A_385] {strides = array<i32>} : memref<20480xf32, #tpu.memory_space<vmem>>, vector<16xf32>,
      tpu.vector_store %arg6[%swap3A_385], %broadcast_in_dim3A_9 {strides = array<i32>} : memref<20480xf32, #tpu.memory_space<vmem>>, vector<16xf32>,
      %mul3A_387 = arith.constant 256 : i32
      %mul3A_388 = arith.muli %scan3A_332, %mul3A_387 : i32
      %add3A_389 = arith.constant 144 : i32
      %add3A_390 = arith.addi %mul3A_388, %add3A_389 : i32
      %swap3A_391 = arith.index_cast %add3A_390 : i32 to index
      %swap3A_392 = tpu.vector_load %arg6[%swap3A_391] {strides = array<i32>} : memref<20480xf32, #tpu.memory_space<vmem>>, vector<16xf32>,
      tpu.vector_store %arg6[%swap3A_391], %broadcast_in_dim3A_9 {strides = array<i32>} : memref<20480xf32, #tpu.memory_space<vmem>>, vector<16xf32>,
      %mul3A_393 = arith.constant 256 : i32
      %mul3A_394 = arith.muli %scan3A_332, %mul3A_393 : i32
      %add3A_395 = arith.constant 160 : i32
      %add3A_396 = arith.addi %mul3A_394, %add3A_395 : i32
      %swap3A_397 = arith.index_cast %add3A_396 : i32 to index
      %swap3A_398 = tpu.vector_load %arg6[%swap3A_397] {strides = array<i32>} : memref<20480xf32, #tpu.memory_space<vmem>>, vector<16xf32>,
      tpu.vector_store %arg6[%swap3A_397], %broadcast_in_dim3A_9 {strides = array<i32>} : memref<20480xf32, #tpu.memory_space<vmem>>, vector<16xf32>,
      %mul3A_399 = arith.constant 256 : i32
      %mul3A_400 = arith.muli %scan3A_332, %mul3A_399 : i32
      %add3A_401 = arith.constant 176 : i32
      %add3A_402 = arith.addi %mul3A_400, %add3A_401 : i32
      %swap3A_403 = arith.index_cast %add3A_402 : i32 to index
      %swap3A_404 = tpu.vector_load %arg6[%swap3A_403] {strides = array<i32>} : memref<20480xf32, #tpu.memory_space<vmem>>, vector<16xf32>,
      tpu.vector_store %arg6[%swap3A_403], %broadcast_in_dim3A_9 {strides = array<i32>} : memref<20480xf32, #tpu.memory_space<vmem>>, vector<16xf32>,
      %mul3A_405 = arith.constant 256 : i32
      %mul3A_406 = arith.muli %scan3A_332, %mul3A_405 : i32
      %add3A_407 = arith.constant 192 : i32
      %add3A_408 = arith.addi %mul3A_406, %add3A_407 : i32
      %swap3A_409 = arith.index_cast %add3A_408 : i32 to index
      %swap3A_410 = tpu.vector_load %arg6[%swap3A_409] {strides = array<i32>} : memref<20480xf32, #tpu.memory_space<vmem>>, vector<16xf32>,
      tpu.vector_store %arg6[%swap3A_409], %broadcast_in_dim3A_9 {strides = array<i32>} : memref<20480xf32, #tpu.memory_space<vmem>>, vector<16xf32>,
      %mul3A_411 = arith.constant 256 : i32
      %mul3A_412 = arith.muli %scan3A_332, %mul3A_411 : i32
      %add3A_413 = arith.constant 208 : i32
      %add3A_414 = arith.addi %mul3A_412, %add3A_413 : i32
      %swap3A_415 = arith.index_cast %add3A_414 : i32 to index
      %swap3A_416 = tpu.vector_load %arg6[%swap3A_415] {strides = array<i32>} : memref<20480xf32, #tpu.memory_space<vmem>>, vector<16xf32>,
      tpu.vector_store %arg6[%swap3A_415], %broadcast_in_dim3A_9 {strides = array<i32>} : memref<20480xf32, #tpu.memory_space<vmem>>, vector<16xf32>,
      %mul3A_417 = arith.constant 256 : i32
      %mul3A_418 = arith.muli %scan3A_332, %mul3A_417 : i32
      %add3A_419 = arith.constant 224 : i32
      %add3A_420 = arith.addi %mul3A_418, %add3A_419 : i32
      %swap3A_421 = arith.index_cast %add3A_420 : i32 to index
      %swap3A_422 = tpu.vector_load %arg6[%swap3A_421] {strides = array<i32>} : memref<20480xf32, #tpu.memory_space<vmem>>, vector<16xf32>,
      tpu.vector_store %arg6[%swap3A_421], %broadcast_in_dim3A_9 {strides = array<i32>} : memref<20480xf32, #tpu.memory_space<vmem>>, vector<16xf32>,
      %mul3A_423 = arith.constant 256 : i32
      %mul3A_424 = arith.muli %scan3A_332, %mul3A_423 : i32
      %add3A_425 = arith.constant 240 : i32
      %add3A_426 = arith.addi %mul3A_424, %add3A_425 : i32
      %swap3A_427 = arith.index_cast %add3A_426 : i32 to index
      %swap3A_428 = tpu.vector_load %arg6[%swap3A_427] {strides = array<i32>} : memref<20480xf32, #tpu.memory_space<vmem>>, vector<16xf32>,
      tpu.vector_store %arg6[%swap3A_427], %broadcast_in_dim3A_9 {strides = array<i32>} : memref<20480xf32, #tpu.memory_space<vmem>>, vector<16xf32>,
      %scan3A_429 = arith.constant 0 : i32
      scf.yield %scan3A_429 : i32
    }
    %scan3A_88 = arith.constant 80 : i32
    %get3A_89 = arith.constant 160 : index
    %get3A_90 = tpu.vector_load %arg4[%get3A_89] {strides = array<i32>} : memref<25600xi32, #tpu.memory_space<vmem>>, vector<16xi32>,
    %add3A_91 = arith.constant 0 : i32
    %add3A_92 = vector.broadcast %add3A_91 : i32 to vector<16xi32>
    %add3A_93 = arith.addi %mul3A_6, %add3A_92 : vector<16xi32>
    %add3A_94 = arith.addi %add3A_93, %get3A_90 : vector<16xi32>
    tpu.vector_store_idx %arg6[%add3A_94], %broadcast_in_dim3A_7 : memref<20480xf32, #tpu.memory_space<vmem>>[vector<16xi32>], vector<16xf32>,
    %get3A_95 = arith.constant 176 : index
    %get3A_96 = tpu.vector_load %arg4[%get3A_95] {strides = array<i32>} : memref<25600xi32, #tpu.memory_space<vmem>>, vector<16xi32>,
    %add3A_97 = arith.constant 2048 : i32
    %add3A_98 = vector.broadcast %add3A_97 : i32 to vector<16xi32>
    %add3A_99 = arith.addi %mul3A_6, %add3A_98 : vector<16xi32>
    %add3A_100 = arith.addi %add3A_99, %get3A_96 : vector<16xi32>
    tpu.vector_store_idx %arg6[%add3A_100], %broadcast_in_dim3A_7 : memref<20480xf32, #tpu.memory_space<vmem>>[vector<16xi32>], vector<16xf32>,
    %get3A_101 = arith.constant 192 : index
    %get3A_102 = tpu.vector_load %arg4[%get3A_101] {strides = array<i32>} : memref<25600xi32, #tpu.memory_space<vmem>>, vector<16xi32>,
    %add3A_103 = arith.constant 4096 : i32
    %add3A_104 = vector.broadcast %add3A_103 : i32 to vector<16xi32>
    %add3A_105 = arith.addi %mul3A_6, %add3A_104 : vector<16xi32>
    %add3A_106 = arith.addi %add3A_105, %get3A_102 : vector<16xi32>
    tpu.vector_store_idx %arg6[%add3A_106], %broadcast_in_dim3A_7 : memref<20480xf32, #tpu.memory_space<vmem>>[vector<16xi32>], vector<16xf32>,
    %get3A_107 = arith.constant 208 : index
    %get3A_108 = tpu.vector_load %arg4[%get3A_107] {strides = array<i32>} : memref<25600xi32, #tpu.memory_space<vmem>>, vector<16xi32>,
    %add3A_109 = arith.constant 6144 : i32
    %add3A_110 = vector.broadcast %add3A_109 : i32 to vector<16xi32>
    %add3A_111 = arith.addi %mul3A_6, %add3A_110 : vector<16xi32>
    %add3A_112 = arith.addi %add3A_111, %get3A_108 : vector<16xi32>
    tpu.vector_store_idx %arg6[%add3A_112], %broadcast_in_dim3A_7 : memref<20480xf32, #tpu.memory_space<vmem>>[vector<16xi32>], vector<16xf32>,
    %get3A_113 = arith.constant 224 : index
    %get3A_114 = tpu.vector_load %arg4[%get3A_113] {strides = array<i32>} : memref<25600xi32, #tpu.memory_space<vmem>>, vector<16xi32>,
    %add3A_115 = arith.constant 8192 : i32
    %add3A_116 = vector.broadcast %add3A_115 : i32 to vector<16xi32>
    %add3A_117 = arith.addi %mul3A_6, %add3A_116 : vector<16xi32>
    %add3A_118 = arith.addi %add3A_117, %get3A_114 : vector<16xi32>
    tpu.vector_store_idx %arg6[%add3A_118], %broadcast_in_dim3A_7 : memref<20480xf32, #tpu.memory_space<vmem>>[vector<16xi32>], vector<16xf32>,
    %get3A_119 = arith.constant 240 : index
    %get3A_120 = tpu.vector_load %arg4[%get3A_119] {strides = array<i32>} : memref<25600xi32, #tpu.memory_space<vmem>>, vector<16xi32>,
    %add3A_121 = arith.constant 10240 : i32
    %add3A_122 = vector.broadcast %add3A_121 : i32 to vector<16xi32>
    %add3A_123 = arith.addi %mul3A_6, %add3A_122 : vector<16xi32>
    %add3A_124 = arith.addi %add3A_123, %get3A_120 : vector<16xi32>
    tpu.vector_store_idx %arg6[%add3A_124], %broadcast_in_dim3A_7 : memref<20480xf32, #tpu.memory_space<vmem>>[vector<16xi32>], vector<16xf32>,
    %get3A_125 = arith.constant 256 : index
    %get3A_126 = tpu.vector_load %arg4[%get3A_125] {strides = array<i32>} : memref<25600xi32, #tpu.memory_space<vmem>>, vector<16xi32>,
    %add3A_127 = arith.constant 12288 : i32
    %add3A_128 = vector.broadcast %add3A_127 : i32 to vector<16xi32>
    %add3A_129 = arith.addi %mul3A_6, %add3A_128 : vector<16xi32>
    %add3A_130 = arith.addi %add3A_129, %get3A_126 : vector<16xi32>
    tpu.vector_store_idx %arg6[%add3A_130], %broadcast_in_dim3A_7 : memref<20480xf32, #tpu.memory_space<vmem>>[vector<16xi32>], vector<16xf32>,
    %get3A_131 = arith.constant 272 : index
    %get3A_132 = tpu.vector_load %arg4[%get3A_131] {strides = array<i32>} : memref<25600xi32, #tpu.memory_space<vmem>>, vector<16xi32>,
    %add3A_133 = arith.constant 14336 : i32
    %add3A_134 = vector.broadcast %add3A_133 : i32 to vector<16xi32>
    %add3A_135 = arith.addi %mul3A_6, %add3A_134 : vector<16xi32>
    %add3A_136 = arith.addi %add3A_135, %get3A_132 : vector<16xi32>
    tpu.vector_store_idx %arg6[%add3A_136], %broadcast_in_dim3A_7 : memref<20480xf32, #tpu.memory_space<vmem>>[vector<16xi32>], vector<16xf32>,
    %get3A_137 = arith.constant 288 : index
    %get3A_138 = tpu.vector_load %arg4[%get3A_137] {strides = array<i32>} : memref<25600xi32, #tpu.memory_space<vmem>>, vector<16xi32>,
    %add3A_139 = arith.constant 16384 : i32
    %add3A_140 = vector.broadcast %add3A_139 : i32 to vector<16xi32>
    %add3A_141 = arith.addi %mul3A_6, %add3A_140 : vector<16xi32>
    %add3A_142 = arith.addi %add3A_141, %get3A_138 : vector<16xi32>
    tpu.vector_store_idx %arg6[%add3A_142], %broadcast_in_dim3A_7 : memref<20480xf32, #tpu.memory_space<vmem>>[vector<16xi32>], vector<16xf32>,
    %get3A_143 = arith.constant 304 : index
    %get3A_144 = tpu.vector_load %arg4[%get3A_143] {strides = array<i32>} : memref<25600xi32, #tpu.memory_space<vmem>>, vector<16xi32>,
    %add3A_145 = arith.constant 18432 : i32
    %add3A_146 = vector.broadcast %add3A_145 : i32 to vector<16xi32>
    %add3A_147 = arith.addi %mul3A_6, %add3A_146 : vector<16xi32>
    %add3A_148 = arith.addi %add3A_147, %get3A_144 : vector<16xi32>
    tpu.vector_store_idx %arg6[%add3A_148], %broadcast_in_dim3A_7 : memref<20480xf32, #tpu.memory_space<vmem>>[vector<16xi32>], vector<16xf32>,
    %add3A_149 = arith.constant 160 : i32
    %add3A_150 = arith.addi %mul3A_2, %add3A_149 : i32
    %mul3A_151 = arith.constant 128 : i32
    %mul3A_152 = arith.muli %add3A_150, %mul3A_151 : i32
    %dma_start3A_153 = tpu.memref_slice %arg3[%mul3A_152] : memref<104857600xf32, #tpu.memory_space<hbm>> -> memref<20480xf32, #tpu.memory_space<hbm>>
    %dma_start3A_154 = tpu.memref_slice %arg3[%mul3A_152] : memref<104857600xf32, #tpu.memory_space<hbm>> -> memref<20480xf32, #tpu.memory_space<hbm>>
    tpu.enqueue_dma source(%arg6 : memref<20480xf32, #tpu.memory_space<vmem>>) target(%dma_start3A_154 : memref<20480xf32, #tpu.memory_space<hbm>>) target_semaphore(%arg10 : memref<!tpu.dma_semaphore, #tpu.memory_space<semaphore_mem>>)
    %scan3A_155 = arith.constant 0 : i32
    %scan3A_156 = arith.constant 0 : i32
    %scan3A_157 = arith.constant 80 : i32
    %scan3A_158 = arith.addi %scan3A_156, %scan3A_157 : i32
    %scan3A_159 = arith.constant 1 : i32
    %scan3A_160 = scf.for %scan3A_332 = %scan3A_156 to %scan3A_158 step %scan3A_159 iter_args(%scan3A_333 = %scan3A_155) -> (i32)  : i32 {
      %mul3A_334 = arith.constant 256 : i32
      %mul3A_335 = arith.muli %scan3A_332, %mul3A_334 : i32
      %add3A_336 = arith.constant 0 : i32
      %add3A_337 = arith.addi %mul3A_335, %add3A_336 : i32
      %swap3A = arith.index_cast %add3A_337 : i32 to index
      %swap3A_338 = tpu.vector_load %arg7[%swap3A] {strides = array<i32>} : memref<20480xf32, #tpu.memory_space<vmem>>, vector<16xf32>,
      tpu.vector_store %arg7[%swap3A], %broadcast_in_dim3A_9 {strides = array<i32>} : memref<20480xf32, #tpu.memory_space<vmem>>, vector<16xf32>,
      %mul3A_339 = arith.constant 256 : i32
      %mul3A_340 = arith.muli %scan3A_332, %mul3A_339 : i32
      %add3A_341 = arith.constant 16 : i32
      %add3A_342 = arith.addi %mul3A_340, %add3A_341 : i32
      %swap3A_343 = arith.index_cast %add3A_342 : i32 to index
      %swap3A_344 = tpu.vector_load %arg7[%swap3A_343] {strides = array<i32>} : memref<20480xf32, #tpu.memory_space<vmem>>, vector<16xf32>,
      tpu.vector_store %arg7[%swap3A_343], %broadcast_in_dim3A_9 {strides = array<i32>} : memref<20480xf32, #tpu.memory_space<vmem>>, vector<16xf32>,
      %mul3A_345 = arith.constant 256 : i32
      %mul3A_346 = arith.muli %scan3A_332, %mul3A_345 : i32
      %add3A_347 = arith.constant 32 : i32
      %add3A_348 = arith.addi %mul3A_346, %add3A_347 : i32
      %swap3A_349 = arith.index_cast %add3A_348 : i32 to index
      %swap3A_350 = tpu.vector_load %arg7[%swap3A_349] {strides = array<i32>} : memref<20480xf32, #tpu.memory_space<vmem>>, vector<16xf32>,
      tpu.vector_store %arg7[%swap3A_349], %broadcast_in_dim3A_9 {strides = array<i32>} : memref<20480xf32, #tpu.memory_space<vmem>>, vector<16xf32>,
      %mul3A_351 = arith.constant 256 : i32
      %mul3A_352 = arith.muli %scan3A_332, %mul3A_351 : i32
      %add3A_353 = arith.constant 48 : i32
      %add3A_354 = arith.addi %mul3A_352, %add3A_353 : i32
      %swap3A_355 = arith.index_cast %add3A_354 : i32 to index
      %swap3A_356 = tpu.vector_load %arg7[%swap3A_355] {strides = array<i32>} : memref<20480xf32, #tpu.memory_space<vmem>>, vector<16xf32>,
      tpu.vector_store %arg7[%swap3A_355], %broadcast_in_dim3A_9 {strides = array<i32>} : memref<20480xf32, #tpu.memory_space<vmem>>, vector<16xf32>,
      %mul3A_357 = arith.constant 256 : i32
      %mul3A_358 = arith.muli %scan3A_332, %mul3A_357 : i32
      %add3A_359 = arith.constant 64 : i32
      %add3A_360 = arith.addi %mul3A_358, %add3A_359 : i32
      %swap3A_361 = arith.index_cast %add3A_360 : i32 to index
      %swap3A_362 = tpu.vector_load %arg7[%swap3A_361] {strides = array<i32>} : memref<20480xf32, #tpu.memory_space<vmem>>, vector<16xf32>,
      tpu.vector_store %arg7[%swap3A_361], %broadcast_in_dim3A_9 {strides = array<i32>} : memref<20480xf32, #tpu.memory_space<vmem>>, vector<16xf32>,
      %mul3A_363 = arith.constant 256 : i32
      %mul3A_364 = arith.muli %scan3A_332, %mul3A_363 : i32
      %add3A_365 = arith.constant 80 : i32
      %add3A_366 = arith.addi %mul3A_364, %add3A_365 : i32
      %swap3A_367 = arith.index_cast %add3A_366 : i32 to index
      %swap3A_368 = tpu.vector_load %arg7[%swap3A_367] {strides = array<i32>} : memref<20480xf32, #tpu.memory_space<vmem>>, vector<16xf32>,
      tpu.vector_store %arg7[%swap3A_367], %broadcast_in_dim3A_9 {strides = array<i32>} : memref<20480xf32, #tpu.memory_space<vmem>>, vector<16xf32>,
      %mul3A_369 = arith.constant 256 : i32
      %mul3A_370 = arith.muli %scan3A_332, %mul3A_369 : i32
      %add3A_371 = arith.constant 96 : i32
      %add3A_372 = arith.addi %mul3A_370, %add3A_371 : i32
      %swap3A_373 = arith.index_cast %add3A_372 : i32 to index
      %swap3A_374 = tpu.vector_load %arg7[%swap3A_373] {strides = array<i32>} : memref<20480xf32, #tpu.memory_space<vmem>>, vector<16xf32>,
      tpu.vector_store %arg7[%swap3A_373], %broadcast_in_dim3A_9 {strides = array<i32>} : memref<20480xf32, #tpu.memory_space<vmem>>, vector<16xf32>,
      %mul3A_375 = arith.constant 256 : i32
      %mul3A_376 = arith.muli %scan3A_332, %mul3A_375 : i32
      %add3A_377 = arith.constant 112 : i32
      %add3A_378 = arith.addi %mul3A_376, %add3A_377 : i32
      %swap3A_379 = arith.index_cast %add3A_378 : i32 to index
      %swap3A_380 = tpu.vector_load %arg7[%swap3A_379] {strides = array<i32>} : memref<20480xf32, #tpu.memory_space<vmem>>, vector<16xf32>,
      tpu.vector_store %arg7[%swap3A_379], %broadcast_in_dim3A_9 {strides = array<i32>} : memref<20480xf32, #tpu.memory_space<vmem>>, vector<16xf32>,
      %mul3A_381 = arith.constant 256 : i32
      %mul3A_382 = arith.muli %scan3A_332, %mul3A_381 : i32
      %add3A_383 = arith.constant 128 : i32
      %add3A_384 = arith.addi %mul3A_382, %add3A_383 : i32
      %swap3A_385 = arith.index_cast %add3A_384 : i32 to index
      %swap3A_386 = tpu.vector_load %arg7[%swap3A_385] {strides = array<i32>} : memref<20480xf32, #tpu.memory_space<vmem>>, vector<16xf32>,
      tpu.vector_store %arg7[%swap3A_385], %broadcast_in_dim3A_9 {strides = array<i32>} : memref<20480xf32, #tpu.memory_space<vmem>>, vector<16xf32>,
      %mul3A_387 = arith.constant 256 : i32
      %mul3A_388 = arith.muli %scan3A_332, %mul3A_387 : i32
      %add3A_389 = arith.constant 144 : i32
      %add3A_390 = arith.addi %mul3A_388, %add3A_389 : i32
      %swap3A_391 = arith.index_cast %add3A_390 : i32 to index
      %swap3A_392 = tpu.vector_load %arg7[%swap3A_391] {strides = array<i32>} : memref<20480xf32, #tpu.memory_space<vmem>>, vector<16xf32>,
      tpu.vector_store %arg7[%swap3A_391], %broadcast_in_dim3A_9 {strides = array<i32>} : memref<20480xf32, #tpu.memory_space<vmem>>, vector<16xf32>,
      %mul3A_393 = arith.constant 256 : i32
      %mul3A_394 = arith.muli %scan3A_332, %mul3A_393 : i32
      %add3A_395 = arith.constant 160 : i32
      %add3A_396 = arith.addi %mul3A_394, %add3A_395 : i32
      %swap3A_397 = arith.index_cast %add3A_396 : i32 to index
      %swap3A_398 = tpu.vector_load %arg7[%swap3A_397] {strides = array<i32>} : memref<20480xf32, #tpu.memory_space<vmem>>, vector<16xf32>,
      tpu.vector_store %arg7[%swap3A_397], %broadcast_in_dim3A_9 {strides = array<i32>} : memref<20480xf32, #tpu.memory_space<vmem>>, vector<16xf32>,
      %mul3A_399 = arith.constant 256 : i32
      %mul3A_400 = arith.muli %scan3A_332, %mul3A_399 : i32
      %add3A_401 = arith.constant 176 : i32
      %add3A_402 = arith.addi %mul3A_400, %add3A_401 : i32
      %swap3A_403 = arith.index_cast %add3A_402 : i32 to index
      %swap3A_404 = tpu.vector_load %arg7[%swap3A_403] {strides = array<i32>} : memref<20480xf32, #tpu.memory_space<vmem>>, vector<16xf32>,
      tpu.vector_store %arg7[%swap3A_403], %broadcast_in_dim3A_9 {strides = array<i32>} : memref<20480xf32, #tpu.memory_space<vmem>>, vector<16xf32>,
      %mul3A_405 = arith.constant 256 : i32
      %mul3A_406 = arith.muli %scan3A_332, %mul3A_405 : i32
      %add3A_407 = arith.constant 192 : i32
      %add3A_408 = arith.addi %mul3A_406, %add3A_407 : i32
      %swap3A_409 = arith.index_cast %add3A_408 : i32 to index
      %swap3A_410 = tpu.vector_load %arg7[%swap3A_409] {strides = array<i32>} : memref<20480xf32, #tpu.memory_space<vmem>>, vector<16xf32>,
      tpu.vector_store %arg7[%swap3A_409], %broadcast_in_dim3A_9 {strides = array<i32>} : memref<20480xf32, #tpu.memory_space<vmem>>, vector<16xf32>,
      %mul3A_411 = arith.constant 256 : i32
      %mul3A_412 = arith.muli %scan3A_332, %mul3A_411 : i32
      %add3A_413 = arith.constant 208 : i32
      %add3A_414 = arith.addi %mul3A_412, %add3A_413 : i32
      %swap3A_415 = arith.index_cast %add3A_414 : i32 to index
      %swap3A_416 = tpu.vector_load %arg7[%swap3A_415] {strides = array<i32>} : memref<20480xf32, #tpu.memory_space<vmem>>, vector<16xf32>,
      tpu.vector_store %arg7[%swap3A_415], %broadcast_in_dim3A_9 {strides = array<i32>} : memref<20480xf32, #tpu.memory_space<vmem>>, vector<16xf32>,
      %mul3A_417 = arith.constant 256 : i32
      %mul3A_418 = arith.muli %scan3A_332, %mul3A_417 : i32
      %add3A_419 = arith.constant 224 : i32
      %add3A_420 = arith.addi %mul3A_418, %add3A_419 : i32
      %swap3A_421 = arith.index_cast %add3A_420 : i32 to index
      %swap3A_422 = tpu.vector_load %arg7[%swap3A_421] {strides = array<i32>} : memref<20480xf32, #tpu.memory_space<vmem>>, vector<16xf32>,
      tpu.vector_store %arg7[%swap3A_421], %broadcast_in_dim3A_9 {strides = array<i32>} : memref<20480xf32, #tpu.memory_space<vmem>>, vector<16xf32>,
      %mul3A_423 = arith.constant 256 : i32
      %mul3A_424 = arith.muli %scan3A_332, %mul3A_423 : i32
      %add3A_425 = arith.constant 240 : i32
      %add3A_426 = arith.addi %mul3A_424, %add3A_425 : i32
      %swap3A_427 = arith.index_cast %add3A_426 : i32 to index
      %swap3A_428 = tpu.vector_load %arg7[%swap3A_427] {strides = array<i32>} : memref<20480xf32, #tpu.memory_space<vmem>>, vector<16xf32>,
      tpu.vector_store %arg7[%swap3A_427], %broadcast_in_dim3A_9 {strides = array<i32>} : memref<20480xf32, #tpu.memory_space<vmem>>, vector<16xf32>,
      %scan3A_429 = arith.constant 0 : i32
      scf.yield %scan3A_429 : i32
    }
    %scan3A_161 = arith.constant 80 : i32
    %get3A_162 = arith.constant 320 : index
    %get3A_163 = tpu.vector_load %arg4[%get3A_162] {strides = array<i32>} : memref<25600xi32, #tpu.memory_space<vmem>>, vector<16xi32>,
    %add3A_164 = arith.constant 0 : i32
    %add3A_165 = vector.broadcast %add3A_164 : i32 to vector<16xi32>
    %add3A_166 = arith.addi %mul3A_6, %add3A_165 : vector<16xi32>
    %add3A_167 = arith.addi %add3A_166, %get3A_163 : vector<16xi32>
    tpu.vector_store_idx %arg7[%add3A_167], %broadcast_in_dim3A_7 : memref<20480xf32, #tpu.memory_space<vmem>>[vector<16xi32>], vector<16xf32>,
    %get3A_168 = arith.constant 336 : index
    %get3A_169 = tpu.vector_load %arg4[%get3A_168] {strides = array<i32>} : memref<25600xi32, #tpu.memory_space<vmem>>, vector<16xi32>,
    %add3A_170 = arith.constant 2048 : i32
    %add3A_171 = vector.broadcast %add3A_170 : i32 to vector<16xi32>
    %add3A_172 = arith.addi %mul3A_6, %add3A_171 : vector<16xi32>
    %add3A_173 = arith.addi %add3A_172, %get3A_169 : vector<16xi32>
    tpu.vector_store_idx %arg7[%add3A_173], %broadcast_in_dim3A_7 : memref<20480xf32, #tpu.memory_space<vmem>>[vector<16xi32>], vector<16xf32>,
    %get3A_174 = arith.constant 352 : index
    %get3A_175 = tpu.vector_load %arg4[%get3A_174] {strides = array<i32>} : memref<25600xi32, #tpu.memory_space<vmem>>, vector<16xi32>,
    %add3A_176 = arith.constant 4096 : i32
    %add3A_177 = vector.broadcast %add3A_176 : i32 to vector<16xi32>
    %add3A_178 = arith.addi %mul3A_6, %add3A_177 : vector<16xi32>
    %add3A_179 = arith.addi %add3A_178, %get3A_175 : vector<16xi32>
    tpu.vector_store_idx %arg7[%add3A_179], %broadcast_in_dim3A_7 : memref<20480xf32, #tpu.memory_space<vmem>>[vector<16xi32>], vector<16xf32>,
    %get3A_180 = arith.constant 368 : index
    %get3A_181 = tpu.vector_load %arg4[%get3A_180] {strides = array<i32>} : memref<25600xi32, #tpu.memory_space<vmem>>, vector<16xi32>,
    %add3A_182 = arith.constant 6144 : i32
    %add3A_183 = vector.broadcast %add3A_182 : i32 to vector<16xi32>
    %add3A_184 = arith.addi %mul3A_6, %add3A_183 : vector<16xi32>
    %add3A_185 = arith.addi %add3A_184, %get3A_181 : vector<16xi32>
    tpu.vector_store_idx %arg7[%add3A_185], %broadcast_in_dim3A_7 : memref<20480xf32, #tpu.memory_space<vmem>>[vector<16xi32>], vector<16xf32>,
    %get3A_186 = arith.constant 384 : index
    %get3A_187 = tpu.vector_load %arg4[%get3A_186] {strides = array<i32>} : memref<25600xi32, #tpu.memory_space<vmem>>, vector<16xi32>,
    %add3A_188 = arith.constant 8192 : i32
    %add3A_189 = vector.broadcast %add3A_188 : i32 to vector<16xi32>
    %add3A_190 = arith.addi %mul3A_6, %add3A_189 : vector<16xi32>
    %add3A_191 = arith.addi %add3A_190, %get3A_187 : vector<16xi32>
    tpu.vector_store_idx %arg7[%add3A_191], %broadcast_in_dim3A_7 : memref<20480xf32, #tpu.memory_space<vmem>>[vector<16xi32>], vector<16xf32>,
    %get3A_192 = arith.constant 400 : index
    %get3A_193 = tpu.vector_load %arg4[%get3A_192] {strides = array<i32>} : memref<25600xi32, #tpu.memory_space<vmem>>, vector<16xi32>,
    %add3A_194 = arith.constant 10240 : i32
    %add3A_195 = vector.broadcast %add3A_194 : i32 to vector<16xi32>
    %add3A_196 = arith.addi %mul3A_6, %add3A_195 : vector<16xi32>
    %add3A_197 = arith.addi %add3A_196, %get3A_193 : vector<16xi32>
    tpu.vector_store_idx %arg7[%add3A_197], %broadcast_in_dim3A_7 : memref<20480xf32, #tpu.memory_space<vmem>>[vector<16xi32>], vector<16xf32>,
    %get3A_198 = arith.constant 416 : index
    %get3A_199 = tpu.vector_load %arg4[%get3A_198] {strides = array<i32>} : memref<25600xi32, #tpu.memory_space<vmem>>, vector<16xi32>,
    %add3A_200 = arith.constant 12288 : i32
    %add3A_201 = vector.broadcast %add3A_200 : i32 to vector<16xi32>
    %add3A_202 = arith.addi %mul3A_6, %add3A_201 : vector<16xi32>
    %add3A_203 = arith.addi %add3A_202, %get3A_199 : vector<16xi32>
    tpu.vector_store_idx %arg7[%add3A_203], %broadcast_in_dim3A_7 : memref<20480xf32, #tpu.memory_space<vmem>>[vector<16xi32>], vector<16xf32>,
    %get3A_204 = arith.constant 432 : index
    %get3A_205 = tpu.vector_load %arg4[%get3A_204] {strides = array<i32>} : memref<25600xi32, #tpu.memory_space<vmem>>, vector<16xi32>,
    %add3A_206 = arith.constant 14336 : i32
    %add3A_207 = vector.broadcast %add3A_206 : i32 to vector<16xi32>
    %add3A_208 = arith.addi %mul3A_6, %add3A_207 : vector<16xi32>
    %add3A_209 = arith.addi %add3A_208, %get3A_205 : vector<16xi32>
    tpu.vector_store_idx %arg7[%add3A_209], %broadcast_in_dim3A_7 : memref<20480xf32, #tpu.memory_space<vmem>>[vector<16xi32>], vector<16xf32>,
    %get3A_210 = arith.constant 448 : index
    %get3A_211 = tpu.vector_load %arg4[%get3A_210] {strides = array<i32>} : memref<25600xi32, #tpu.memory_space<vmem>>, vector<16xi32>,
    %add3A_212 = arith.constant 16384 : i32
    %add3A_213 = vector.broadcast %add3A_212 : i32 to vector<16xi32>
    %add3A_214 = arith.addi %mul3A_6, %add3A_213 : vector<16xi32>
    %add3A_215 = arith.addi %add3A_214, %get3A_211 : vector<16xi32>
    tpu.vector_store_idx %arg7[%add3A_215], %broadcast_in_dim3A_7 : memref<20480xf32, #tpu.memory_space<vmem>>[vector<16xi32>], vector<16xf32>,
    %get3A_216 = arith.constant 464 : index
    %get3A_217 = tpu.vector_load %arg4[%get3A_216] {strides = array<i32>} : memref<25600xi32, #tpu.memory_space<vmem>>, vector<16xi32>,
    %add3A_218 = arith.constant 18432 : i32
    %add3A_219 = vector.broadcast %add3A_218 : i32 to vector<16xi32>
    %add3A_220 = arith.addi %mul3A_6, %add3A_219 : vector<16xi32>
    %add3A_221 = arith.addi %add3A_220, %get3A_217 : vector<16xi32>
    tpu.vector_store_idx %arg7[%add3A_221], %broadcast_in_dim3A_7 : memref<20480xf32, #tpu.memory_space<vmem>>[vector<16xi32>], vector<16xf32>,
    %add3A_222 = arith.constant 320 : i32
    %add3A_223 = arith.addi %mul3A_2, %add3A_222 : i32
    %mul3A_224 = arith.constant 128 : i32
    %mul3A_225 = arith.muli %add3A_223, %mul3A_224 : i32
    %dma_start3A_226 = tpu.memref_slice %arg3[%mul3A_225] : memref<104857600xf32, #tpu.memory_space<hbm>> -> memref<20480xf32, #tpu.memory_space<hbm>>
    %dma_start3A_227 = tpu.memref_slice %arg3[%mul3A_225] : memref<104857600xf32, #tpu.memory_space<hbm>> -> memref<20480xf32, #tpu.memory_space<hbm>>
    tpu.enqueue_dma source(%arg7 : memref<20480xf32, #tpu.memory_space<vmem>>) target(%dma_start3A_227 : memref<20480xf32, #tpu.memory_space<hbm>>) target_semaphore(%arg11 : memref<!tpu.dma_semaphore, #tpu.memory_space<semaphore_mem>>)
    %scan3A_228 = arith.constant 0 : i32
    %scan3A_229 = arith.constant 0 : i32
    %scan3A_230 = arith.constant 80 : i32
    %scan3A_231 = arith.addi %scan3A_229, %scan3A_230 : i32
    %scan3A_232 = arith.constant 1 : i32
    %scan3A_233 = scf.for %scan3A_332 = %scan3A_229 to %scan3A_231 step %scan3A_232 iter_args(%scan3A_333 = %scan3A_228) -> (i32)  : i32 {
      %mul3A_334 = arith.constant 256 : i32
      %mul3A_335 = arith.muli %scan3A_332, %mul3A_334 : i32
      %add3A_336 = arith.constant 0 : i32
      %add3A_337 = arith.addi %mul3A_335, %add3A_336 : i32
      %swap3A = arith.index_cast %add3A_337 : i32 to index
      %swap3A_338 = tpu.vector_load %arg8[%swap3A] {strides = array<i32>} : memref<20480xf32, #tpu.memory_space<vmem>>, vector<16xf32>,
      tpu.vector_store %arg8[%swap3A], %broadcast_in_dim3A_9 {strides = array<i32>} : memref<20480xf32, #tpu.memory_space<vmem>>, vector<16xf32>,
      %mul3A_339 = arith.constant 256 : i32
      %mul3A_340 = arith.muli %scan3A_332, %mul3A_339 : i32
      %add3A_341 = arith.constant 16 : i32
      %add3A_342 = arith.addi %mul3A_340, %add3A_341 : i32
      %swap3A_343 = arith.index_cast %add3A_342 : i32 to index
      %swap3A_344 = tpu.vector_load %arg8[%swap3A_343] {strides = array<i32>} : memref<20480xf32, #tpu.memory_space<vmem>>, vector<16xf32>,
      tpu.vector_store %arg8[%swap3A_343], %broadcast_in_dim3A_9 {strides = array<i32>} : memref<20480xf32, #tpu.memory_space<vmem>>, vector<16xf32>,
      %mul3A_345 = arith.constant 256 : i32
      %mul3A_346 = arith.muli %scan3A_332, %mul3A_345 : i32
      %add3A_347 = arith.constant 32 : i32
      %add3A_348 = arith.addi %mul3A_346, %add3A_347 : i32
      %swap3A_349 = arith.index_cast %add3A_348 : i32 to index
      %swap3A_350 = tpu.vector_load %arg8[%swap3A_349] {strides = array<i32>} : memref<20480xf32, #tpu.memory_space<vmem>>, vector<16xf32>,
      tpu.vector_store %arg8[%swap3A_349], %broadcast_in_dim3A_9 {strides = array<i32>} : memref<20480xf32, #tpu.memory_space<vmem>>, vector<16xf32>,
      %mul3A_351 = arith.constant 256 : i32
      %mul3A_352 = arith.muli %scan3A_332, %mul3A_351 : i32
      %add3A_353 = arith.constant 48 : i32
      %add3A_354 = arith.addi %mul3A_352, %add3A_353 : i32
      %swap3A_355 = arith.index_cast %add3A_354 : i32 to index
      %swap3A_356 = tpu.vector_load %arg8[%swap3A_355] {strides = array<i32>} : memref<20480xf32, #tpu.memory_space<vmem>>, vector<16xf32>,
      tpu.vector_store %arg8[%swap3A_355], %broadcast_in_dim3A_9 {strides = array<i32>} : memref<20480xf32, #tpu.memory_space<vmem>>, vector<16xf32>,
      %mul3A_357 = arith.constant 256 : i32
      %mul3A_358 = arith.muli %scan3A_332, %mul3A_357 : i32
      %add3A_359 = arith.constant 64 : i32
      %add3A_360 = arith.addi %mul3A_358, %add3A_359 : i32
      %swap3A_361 = arith.index_cast %add3A_360 : i32 to index
      %swap3A_362 = tpu.vector_load %arg8[%swap3A_361] {strides = array<i32>} : memref<20480xf32, #tpu.memory_space<vmem>>, vector<16xf32>,
      tpu.vector_store %arg8[%swap3A_361], %broadcast_in_dim3A_9 {strides = array<i32>} : memref<20480xf32, #tpu.memory_space<vmem>>, vector<16xf32>,
      %mul3A_363 = arith.constant 256 : i32
      %mul3A_364 = arith.muli %scan3A_332, %mul3A_363 : i32
      %add3A_365 = arith.constant 80 : i32
      %add3A_366 = arith.addi %mul3A_364, %add3A_365 : i32
      %swap3A_367 = arith.index_cast %add3A_366 : i32 to index
      %swap3A_368 = tpu.vector_load %arg8[%swap3A_367] {strides = array<i32>} : memref<20480xf32, #tpu.memory_space<vmem>>, vector<16xf32>,
      tpu.vector_store %arg8[%swap3A_367], %broadcast_in_dim3A_9 {strides = array<i32>} : memref<20480xf32, #tpu.memory_space<vmem>>, vector<16xf32>,
      %mul3A_369 = arith.constant 256 : i32
      %mul3A_370 = arith.muli %scan3A_332, %mul3A_369 : i32
      %add3A_371 = arith.constant 96 : i32
      %add3A_372 = arith.addi %mul3A_370, %add3A_371 : i32
      %swap3A_373 = arith.index_cast %add3A_372 : i32 to index
      %swap3A_374 = tpu.vector_load %arg8[%swap3A_373] {strides = array<i32>} : memref<20480xf32, #tpu.memory_space<vmem>>, vector<16xf32>,
      tpu.vector_store %arg8[%swap3A_373], %broadcast_in_dim3A_9 {strides = array<i32>} : memref<20480xf32, #tpu.memory_space<vmem>>, vector<16xf32>,
      %mul3A_375 = arith.constant 256 : i32
      %mul3A_376 = arith.muli %scan3A_332, %mul3A_375 : i32
      %add3A_377 = arith.constant 112 : i32
      %add3A_378 = arith.addi %mul3A_376, %add3A_377 : i32
      %swap3A_379 = arith.index_cast %add3A_378 : i32 to index
      %swap3A_380 = tpu.vector_load %arg8[%swap3A_379] {strides = array<i32>} : memref<20480xf32, #tpu.memory_space<vmem>>, vector<16xf32>,
      tpu.vector_store %arg8[%swap3A_379], %broadcast_in_dim3A_9 {strides = array<i32>} : memref<20480xf32, #tpu.memory_space<vmem>>, vector<16xf32>,
      %mul3A_381 = arith.constant 256 : i32
      %mul3A_382 = arith.muli %scan3A_332, %mul3A_381 : i32
      %add3A_383 = arith.constant 128 : i32
      %add3A_384 = arith.addi %mul3A_382, %add3A_383 : i32
      %swap3A_385 = arith.index_cast %add3A_384 : i32 to index
      %swap3A_386 = tpu.vector_load %arg8[%swap3A_385] {strides = array<i32>} : memref<20480xf32, #tpu.memory_space<vmem>>, vector<16xf32>,
      tpu.vector_store %arg8[%swap3A_385], %broadcast_in_dim3A_9 {strides = array<i32>} : memref<20480xf32, #tpu.memory_space<vmem>>, vector<16xf32>,
      %mul3A_387 = arith.constant 256 : i32
      %mul3A_388 = arith.muli %scan3A_332, %mul3A_387 : i32
      %add3A_389 = arith.constant 144 : i32
      %add3A_390 = arith.addi %mul3A_388, %add3A_389 : i32
      %swap3A_391 = arith.index_cast %add3A_390 : i32 to index
      %swap3A_392 = tpu.vector_load %arg8[%swap3A_391] {strides = array<i32>} : memref<20480xf32, #tpu.memory_space<vmem>>, vector<16xf32>,
      tpu.vector_store %arg8[%swap3A_391], %broadcast_in_dim3A_9 {strides = array<i32>} : memref<20480xf32, #tpu.memory_space<vmem>>, vector<16xf32>,
      %mul3A_393 = arith.constant 256 : i32
      %mul3A_394 = arith.muli %scan3A_332, %mul3A_393 : i32
      %add3A_395 = arith.constant 160 : i32
      %add3A_396 = arith.addi %mul3A_394, %add3A_395 : i32
      %swap3A_397 = arith.index_cast %add3A_396 : i32 to index
      %swap3A_398 = tpu.vector_load %arg8[%swap3A_397] {strides = array<i32>} : memref<20480xf32, #tpu.memory_space<vmem>>, vector<16xf32>,
      tpu.vector_store %arg8[%swap3A_397], %broadcast_in_dim3A_9 {strides = array<i32>} : memref<20480xf32, #tpu.memory_space<vmem>>, vector<16xf32>,
      %mul3A_399 = arith.constant 256 : i32
      %mul3A_400 = arith.muli %scan3A_332, %mul3A_399 : i32
      %add3A_401 = arith.constant 176 : i32
      %add3A_402 = arith.addi %mul3A_400, %add3A_401 : i32
      %swap3A_403 = arith.index_cast %add3A_402 : i32 to index
      %swap3A_404 = tpu.vector_load %arg8[%swap3A_403] {strides = array<i32>} : memref<20480xf32, #tpu.memory_space<vmem>>, vector<16xf32>,
      tpu.vector_store %arg8[%swap3A_403], %broadcast_in_dim3A_9 {strides = array<i32>} : memref<20480xf32, #tpu.memory_space<vmem>>, vector<16xf32>,
      %mul3A_405 = arith.constant 256 : i32
      %mul3A_406 = arith.muli %scan3A_332, %mul3A_405 : i32
      %add3A_407 = arith.constant 192 : i32
      %add3A_408 = arith.addi %mul3A_406, %add3A_407 : i32
      %swap3A_409 = arith.index_cast %add3A_408 : i32 to index
      %swap3A_410 = tpu.vector_load %arg8[%swap3A_409] {strides = array<i32>} : memref<20480xf32, #tpu.memory_space<vmem>>, vector<16xf32>,
      tpu.vector_store %arg8[%swap3A_409], %broadcast_in_dim3A_9 {strides = array<i32>} : memref<20480xf32, #tpu.memory_space<vmem>>, vector<16xf32>,
      %mul3A_411 = arith.constant 256 : i32
      %mul3A_412 = arith.muli %scan3A_332, %mul3A_411 : i32
      %add3A_413 = arith.constant 208 : i32
      %add3A_414 = arith.addi %mul3A_412, %add3A_413 : i32
      %swap3A_415 = arith.index_cast %add3A_414 : i32 to index
      %swap3A_416 = tpu.vector_load %arg8[%swap3A_415] {strides = array<i32>} : memref<20480xf32, #tpu.memory_space<vmem>>, vector<16xf32>,
      tpu.vector_store %arg8[%swap3A_415], %broadcast_in_dim3A_9 {strides = array<i32>} : memref<20480xf32, #tpu.memory_space<vmem>>, vector<16xf32>,
      %mul3A_417 = arith.constant 256 : i32
      %mul3A_418 = arith.muli %scan3A_332, %mul3A_417 : i32
      %add3A_419 = arith.constant 224 : i32
      %add3A_420 = arith.addi %mul3A_418, %add3A_419 : i32
      %swap3A_421 = arith.index_cast %add3A_420 : i32 to index
      %swap3A_422 = tpu.vector_load %arg8[%swap3A_421] {strides = array<i32>} : memref<20480xf32, #tpu.memory_space<vmem>>, vector<16xf32>,
      tpu.vector_store %arg8[%swap3A_421], %broadcast_in_dim3A_9 {strides = array<i32>} : memref<20480xf32, #tpu.memory_space<vmem>>, vector<16xf32>,
      %mul3A_423 = arith.constant 256 : i32
      %mul3A_424 = arith.muli %scan3A_332, %mul3A_423 : i32
      %add3A_425 = arith.constant 240 : i32
      %add3A_426 = arith.addi %mul3A_424, %add3A_425 : i32
      %swap3A_427 = arith.index_cast %add3A_426 : i32 to index
      %swap3A_428 = tpu.vector_load %arg8[%swap3A_427] {strides = array<i32>} : memref<20480xf32, #tpu.memory_space<vmem>>, vector<16xf32>,
      tpu.vector_store %arg8[%swap3A_427], %broadcast_in_dim3A_9 {strides = array<i32>} : memref<20480xf32, #tpu.memory_space<vmem>>, vector<16xf32>,
      %scan3A_429 = arith.constant 0 : i32
      scf.yield %scan3A_429 : i32
    }
    %scan3A_234 = arith.constant 80 : i32
    %get3A_235 = arith.constant 480 : index
    %get3A_236 = tpu.vector_load %arg4[%get3A_235] {strides = array<i32>} : memref<25600xi32, #tpu.memory_space<vmem>>, vector<16xi32>,
    %add3A_237 = arith.constant 0 : i32
    %add3A_238 = vector.broadcast %add3A_237 : i32 to vector<16xi32>
    %add3A_239 = arith.addi %mul3A_6, %add3A_238 : vector<16xi32>
    %add3A_240 = arith.addi %add3A_239, %get3A_236 : vector<16xi32>
    tpu.vector_store_idx %arg8[%add3A_240], %broadcast_in_dim3A_7 : memref<20480xf32, #tpu.memory_space<vmem>>[vector<16xi32>], vector<16xf32>,
    %get3A_241 = arith.constant 496 : index
    %get3A_242 = tpu.vector_load %arg4[%get3A_241] {strides = array<i32>} : memref<25600xi32, #tpu.memory_space<vmem>>, vector<16xi32>,
    %add3A_243 = arith.constant 2048 : i32
    %add3A_244 = vector.broadcast %add3A_243 : i32 to vector<16xi32>
    %add3A_245 = arith.addi %mul3A_6, %add3A_244 : vector<16xi32>
    %add3A_246 = arith.addi %add3A_245, %get3A_242 : vector<16xi32>
    tpu.vector_store_idx %arg8[%add3A_246], %broadcast_in_dim3A_7 : memref<20480xf32, #tpu.memory_space<vmem>>[vector<16xi32>], vector<16xf32>,
    %get3A_247 = arith.constant 512 : index
    %get3A_248 = tpu.vector_load %arg4[%get3A_247] {strides = array<i32>} : memref<25600xi32, #tpu.memory_space<vmem>>, vector<16xi32>,
    %add3A_249 = arith.constant 4096 : i32
    %add3A_250 = vector.broadcast %add3A_249 : i32 to vector<16xi32>
    %add3A_251 = arith.addi %mul3A_6, %add3A_250 : vector<16xi32>
    %add3A_252 = arith.addi %add3A_251, %get3A_248 : vector<16xi32>
    tpu.vector_store_idx %arg8[%add3A_252], %broadcast_in_dim3A_7 : memref<20480xf32, #tpu.memory_space<vmem>>[vector<16xi32>], vector<16xf32>,
    %get3A_253 = arith.constant 528 : index
    %get3A_254 = tpu.vector_load %arg4[%get3A_253] {strides = array<i32>} : memref<25600xi32, #tpu.memory_space<vmem>>, vector<16xi32>,
    %add3A_255 = arith.constant 6144 : i32
    %add3A_256 = vector.broadcast %add3A_255 : i32 to vector<16xi32>
    %add3A_257 = arith.addi %mul3A_6, %add3A_256 : vector<16xi32>
    %add3A_258 = arith.addi %add3A_257, %get3A_254 : vector<16xi32>
    tpu.vector_store_idx %arg8[%add3A_258], %broadcast_in_dim3A_7 : memref<20480xf32, #tpu.memory_space<vmem>>[vector<16xi32>], vector<16xf32>,
    %get3A_259 = arith.constant 544 : index
    %get3A_260 = tpu.vector_load %arg4[%get3A_259] {strides = array<i32>} : memref<25600xi32, #tpu.memory_space<vmem>>, vector<16xi32>,
    %add3A_261 = arith.constant 8192 : i32
    %add3A_262 = vector.broadcast %add3A_261 : i32 to vector<16xi32>
    %add3A_263 = arith.addi %mul3A_6, %add3A_262 : vector<16xi32>
    %add3A_264 = arith.addi %add3A_263, %get3A_260 : vector<16xi32>
    tpu.vector_store_idx %arg8[%add3A_264], %broadcast_in_dim3A_7 : memref<20480xf32, #tpu.memory_space<vmem>>[vector<16xi32>], vector<16xf32>,
    %get3A_265 = arith.constant 560 : index
    %get3A_266 = tpu.vector_load %arg4[%get3A_265] {strides = array<i32>} : memref<25600xi32, #tpu.memory_space<vmem>>, vector<16xi32>,
    %add3A_267 = arith.constant 10240 : i32
    %add3A_268 = vector.broadcast %add3A_267 : i32 to vector<16xi32>
    %add3A_269 = arith.addi %mul3A_6, %add3A_268 : vector<16xi32>
    %add3A_270 = arith.addi %add3A_269, %get3A_266 : vector<16xi32>
    tpu.vector_store_idx %arg8[%add3A_270], %broadcast_in_dim3A_7 : memref<20480xf32, #tpu.memory_space<vmem>>[vector<16xi32>], vector<16xf32>,
    %get3A_271 = arith.constant 576 : index
    %get3A_272 = tpu.vector_load %arg4[%get3A_271] {strides = array<i32>} : memref<25600xi32, #tpu.memory_space<vmem>>, vector<16xi32>,
    %add3A_273 = arith.constant 12288 : i32
    %add3A_274 = vector.broadcast %add3A_273 : i32 to vector<16xi32>
    %add3A_275 = arith.addi %mul3A_6, %add3A_274 : vector<16xi32>
    %add3A_276 = arith.addi %add3A_275, %get3A_272 : vector<16xi32>
    tpu.vector_store_idx %arg8[%add3A_276], %broadcast_in_dim3A_7 : memref<20480xf32, #tpu.memory_space<vmem>>[vector<16xi32>], vector<16xf32>,
    %get3A_277 = arith.constant 592 : index
    %get3A_278 = tpu.vector_load %arg4[%get3A_277] {strides = array<i32>} : memref<25600xi32, #tpu.memory_space<vmem>>, vector<16xi32>,
    %add3A_279 = arith.constant 14336 : i32
    %add3A_280 = vector.broadcast %add3A_279 : i32 to vector<16xi32>
    %add3A_281 = arith.addi %mul3A_6, %add3A_280 : vector<16xi32>
    %add3A_282 = arith.addi %add3A_281, %get3A_278 : vector<16xi32>
    tpu.vector_store_idx %arg8[%add3A_282], %broadcast_in_dim3A_7 : memref<20480xf32, #tpu.memory_space<vmem>>[vector<16xi32>], vector<16xf32>,
    %get3A_283 = arith.constant 608 : index
    %get3A_284 = tpu.vector_load %arg4[%get3A_283] {strides = array<i32>} : memref<25600xi32, #tpu.memory_space<vmem>>, vector<16xi32>,
    %add3A_285 = arith.constant 16384 : i32
    %add3A_286 = vector.broadcast %add3A_285 : i32 to vector<16xi32>
    %add3A_287 = arith.addi %mul3A_6, %add3A_286 : vector<16xi32>
    %add3A_288 = arith.addi %add3A_287, %get3A_284 : vector<16xi32>
    tpu.vector_store_idx %arg8[%add3A_288], %broadcast_in_dim3A_7 : memref<20480xf32, #tpu.memory_space<vmem>>[vector<16xi32>], vector<16xf32>,
    %get3A_289 = arith.constant 624 : index
    %get3A_290 = tpu.vector_load %arg4[%get3A_289] {strides = array<i32>} : memref<25600xi32, #tpu.memory_space<vmem>>, vector<16xi32>,
    %add3A_291 = arith.constant 18432 : i32
    %add3A_292 = vector.broadcast %add3A_291 : i32 to vector<16xi32>
    %add3A_293 = arith.addi %mul3A_6, %add3A_292 : vector<16xi32>
    %add3A_294 = arith.addi %add3A_293, %get3A_290 : vector<16xi32>
    tpu.vector_store_idx %arg8[%add3A_294], %broadcast_in_dim3A_7 : memref<20480xf32, #tpu.memory_space<vmem>>[vector<16xi32>], vector<16xf32>,
    %add3A_295 = arith.constant 480 : i32
    %add3A_296 = arith.addi %mul3A_2, %add3A_295 : i32
    %mul3A_297 = arith.constant 128 : i32
    %mul3A_298 = arith.muli %add3A_296, %mul3A_297 : i32
    %dma_start3A_299 = tpu.memref_slice %arg3[%mul3A_298] : memref<104857600xf32, #tpu.memory_space<hbm>> -> memref<20480xf32, #tpu.memory_space<hbm>>
    %dma_start3A_300 = tpu.memref_slice %arg3[%mul3A_298] : memref<104857600xf32, #tpu.memory_space<hbm>> -> memref<20480xf32, #tpu.memory_space<hbm>>
    tpu.enqueue_dma source(%arg8 : memref<20480xf32, #tpu.memory_space<vmem>>) target(%dma_start3A_300 : memref<20480xf32, #tpu.memory_space<hbm>>) target_semaphore(%arg12 : memref<!tpu.dma_semaphore, #tpu.memory_space<semaphore_mem>>)
    %scan3A_301 = arith.constant 0 : i32
    %scan3A_302 = arith.constant 1 : i32
    %scan3A_303 = arith.constant 39 : i32
    %scan3A_304 = arith.addi %scan3A_302, %scan3A_303 : i32
    %scan3A_305 = arith.constant 1 : i32
    %scan3A_306 = scf.for %scan3A_332 = %scan3A_302 to %scan3A_304 step %scan3A_305 iter_args(%scan3A_333 = %scan3A_301) -> (i32)  : i32 {
      %mul3A_334 = arith.constant 4 : i32
      %mul3A_335 = arith.muli %mul3A_334, %scan3A_332 : i32
      %add3A_336 = arith.constant 0 : i32
      %add3A_337 = arith.addi %mul3A_335, %add3A_336 : i32
      %mul3A_338 = arith.constant 160 : i32
      %mul3A_339 = arith.muli %add3A_337, %mul3A_338 : i32
      %add3A_340 = arith.addi %mul3A_2, %mul3A_339 : i32
      %mul3A_341 = arith.constant 128 : i32
      %mul3A_342 = arith.muli %add3A_340, %mul3A_341 : i32
      %dma_wait3A_343 = tpu.memref_slice %arg3[%mul3A_342] : memref<104857600xf32, #tpu.memory_space<hbm>> -> memref<20480xf32, #tpu.memory_space<hbm>>
      %dma_wait3A_344 = tpu.memref_slice %arg3[%mul3A_342] : memref<104857600xf32, #tpu.memory_space<hbm>> -> memref<20480xf32, #tpu.memory_space<hbm>>
      tpu.wait_dma2 semaphore(%arg9 : memref<!tpu.dma_semaphore, #tpu.memory_space<semaphore_mem>>) src(%arg5 : memref<20480xf32, #tpu.memory_space<vmem>>) dst(%dma_wait3A_344 : memref<20480xf32, #tpu.memory_space<hbm>>)
      %sub3A = arith.constant 4 : i32
      %sub3A_345 = arith.subi %add3A_337, %sub3A : i32
      %mul3A_346 = arith.constant 160 : i32
      %mul3A_347 = arith.muli %sub3A_345, %mul3A_346 : i32
      %add3A_348 = arith.constant 0 : i32
      %add3A_349 = arith.addi %mul3A_347, %add3A_348 : i32
      %get3A_350 = arith.index_cast %add3A_349 : i32 to index
      %get3A_351 = tpu.vector_load %arg4[%get3A_350] {strides = array<i32>} : memref<25600xi32, #tpu.memory_space<vmem>>, vector<16xi32>,
      %add3A_352 = arith.constant 0 : i32
      %add3A_353 = vector.broadcast %add3A_352 : i32 to vector<16xi32>
      %add3A_354 = arith.addi %mul3A_6, %add3A_353 : vector<16xi32>
      %add3A_355 = arith.addi %add3A_354, %get3A_351 : vector<16xi32>
      tpu.vector_store_idx %arg5[%add3A_355], %broadcast_in_dim3A_9 : memref<20480xf32, #tpu.memory_space<vmem>>[vector<16xi32>], vector<16xf32>,
      %mul3A_356 = arith.constant 160 : i32
      %mul3A_357 = arith.muli %sub3A_345, %mul3A_356 : i32
      %add3A_358 = arith.constant 16 : i32
      %add3A_359 = arith.addi %mul3A_357, %add3A_358 : i32
      %get3A_360 = arith.index_cast %add3A_359 : i32 to index
      %get3A_361 = tpu.vector_load %arg4[%get3A_360] {strides = array<i32>} : memref<25600xi32, #tpu.memory_space<vmem>>, vector<16xi32>,
      %add3A_362 = arith.constant 2048 : i32
      %add3A_363 = vector.broadcast %add3A_362 : i32 to vector<16xi32>
      %add3A_364 = arith.addi %mul3A_6, %add3A_363 : vector<16xi32>
      %add3A_365 = arith.addi %add3A_364, %get3A_361 : vector<16xi32>
      tpu.vector_store_idx %arg5[%add3A_365], %broadcast_in_dim3A_9 : memref<20480xf32, #tpu.memory_space<vmem>>[vector<16xi32>], vector<16xf32>,
      %mul3A_366 = arith.constant 160 : i32
      %mul3A_367 = arith.muli %sub3A_345, %mul3A_366 : i32
      %add3A_368 = arith.constant 32 : i32
      %add3A_369 = arith.addi %mul3A_367, %add3A_368 : i32
      %get3A_370 = arith.index_cast %add3A_369 : i32 to index
      %get3A_371 = tpu.vector_load %arg4[%get3A_370] {strides = array<i32>} : memref<25600xi32, #tpu.memory_space<vmem>>, vector<16xi32>,
      %add3A_372 = arith.constant 4096 : i32
      %add3A_373 = vector.broadcast %add3A_372 : i32 to vector<16xi32>
      %add3A_374 = arith.addi %mul3A_6, %add3A_373 : vector<16xi32>
      %add3A_375 = arith.addi %add3A_374, %get3A_371 : vector<16xi32>
      tpu.vector_store_idx %arg5[%add3A_375], %broadcast_in_dim3A_9 : memref<20480xf32, #tpu.memory_space<vmem>>[vector<16xi32>], vector<16xf32>,
      %mul3A_376 = arith.constant 160 : i32
      %mul3A_377 = arith.muli %sub3A_345, %mul3A_376 : i32
      %add3A_378 = arith.constant 48 : i32
      %add3A_379 = arith.addi %mul3A_377, %add3A_378 : i32
      %get3A_380 = arith.index_cast %add3A_379 : i32 to index
      %get3A_381 = tpu.vector_load %arg4[%get3A_380] {strides = array<i32>} : memref<25600xi32, #tpu.memory_space<vmem>>, vector<16xi32>,
      %add3A_382 = arith.constant 6144 : i32
      %add3A_383 = vector.broadcast %add3A_382 : i32 to vector<16xi32>
      %add3A_384 = arith.addi %mul3A_6, %add3A_383 : vector<16xi32>
      %add3A_385 = arith.addi %add3A_384, %get3A_381 : vector<16xi32>
      tpu.vector_store_idx %arg5[%add3A_385], %broadcast_in_dim3A_9 : memref<20480xf32, #tpu.memory_space<vmem>>[vector<16xi32>], vector<16xf32>,
      %mul3A_386 = arith.constant 160 : i32
      %mul3A_387 = arith.muli %sub3A_345, %mul3A_386 : i32
      %add3A_388 = arith.constant 64 : i32
      %add3A_389 = arith.addi %mul3A_387, %add3A_388 : i32
      %get3A_390 = arith.index_cast %add3A_389 : i32 to index
      %get3A_391 = tpu.vector_load %arg4[%get3A_390] {strides = array<i32>} : memref<25600xi32, #tpu.memory_space<vmem>>, vector<16xi32>,
      %add3A_392 = arith.constant 8192 : i32
      %add3A_393 = vector.broadcast %add3A_392 : i32 to vector<16xi32>
      %add3A_394 = arith.addi %mul3A_6, %add3A_393 : vector<16xi32>
      %add3A_395 = arith.addi %add3A_394, %get3A_391 : vector<16xi32>
      tpu.vector_store_idx %arg5[%add3A_395], %broadcast_in_dim3A_9 : memref<20480xf32, #tpu.memory_space<vmem>>[vector<16xi32>], vector<16xf32>,
      %mul3A_396 = arith.constant 160 : i32
      %mul3A_397 = arith.muli %sub3A_345, %mul3A_396 : i32
      %add3A_398 = arith.constant 80 : i32
      %add3A_399 = arith.addi %mul3A_397, %add3A_398 : i32
      %get3A_400 = arith.index_cast %add3A_399 : i32 to index
      %get3A_401 = tpu.vector_load %arg4[%get3A_400] {strides = array<i32>} : memref<25600xi32, #tpu.memory_space<vmem>>, vector<16xi32>,
      %add3A_402 = arith.constant 10240 : i32
      %add3A_403 = vector.broadcast %add3A_402 : i32 to vector<16xi32>
      %add3A_404 = arith.addi %mul3A_6, %add3A_403 : vector<16xi32>
      %add3A_405 = arith.addi %add3A_404, %get3A_401 : vector<16xi32>
      tpu.vector_store_idx %arg5[%add3A_405], %broadcast_in_dim3A_9 : memref<20480xf32, #tpu.memory_space<vmem>>[vector<16xi32>], vector<16xf32>,
      %mul3A_406 = arith.constant 160 : i32
      %mul3A_407 = arith.muli %sub3A_345, %mul3A_406 : i32
      %add3A_408 = arith.constant 96 : i32
      %add3A_409 = arith.addi %mul3A_407, %add3A_408 : i32
      %get3A_410 = arith.index_cast %add3A_409 : i32 to index
      %get3A_411 = tpu.vector_load %arg4[%get3A_410] {strides = array<i32>} : memref<25600xi32, #tpu.memory_space<vmem>>, vector<16xi32>,
      %add3A_412 = arith.constant 12288 : i32
      %add3A_413 = vector.broadcast %add3A_412 : i32 to vector<16xi32>
      %add3A_414 = arith.addi %mul3A_6, %add3A_413 : vector<16xi32>
      %add3A_415 = arith.addi %add3A_414, %get3A_411 : vector<16xi32>
      tpu.vector_store_idx %arg5[%add3A_415], %broadcast_in_dim3A_9 : memref<20480xf32, #tpu.memory_space<vmem>>[vector<16xi32>], vector<16xf32>,
      %mul3A_416 = arith.constant 160 : i32
      %mul3A_417 = arith.muli %sub3A_345, %mul3A_416 : i32
      %add3A_418 = arith.constant 112 : i32
      %add3A_419 = arith.addi %mul3A_417, %add3A_418 : i32
      %get3A_420 = arith.index_cast %add3A_419 : i32 to index
      %get3A_421 = tpu.vector_load %arg4[%get3A_420] {strides = array<i32>} : memref<25600xi32, #tpu.memory_space<vmem>>, vector<16xi32>,
      %add3A_422 = arith.constant 14336 : i32
      %add3A_423 = vector.broadcast %add3A_422 : i32 to vector<16xi32>
      %add3A_424 = arith.addi %mul3A_6, %add3A_423 : vector<16xi32>
      %add3A_425 = arith.addi %add3A_424, %get3A_421 : vector<16xi32>
      tpu.vector_store_idx %arg5[%add3A_425], %broadcast_in_dim3A_9 : memref<20480xf32, #tpu.memory_space<vmem>>[vector<16xi32>], vector<16xf32>,
      %mul3A_426 = arith.constant 160 : i32
      %mul3A_427 = arith.muli %sub3A_345, %mul3A_426 : i32
      %add3A_428 = arith.constant 128 : i32
      %add3A_429 = arith.addi %mul3A_427, %add3A_428 : i32
      %get3A_430 = arith.index_cast %add3A_429 : i32 to index
      %get3A_431 = tpu.vector_load %arg4[%get3A_430] {strides = array<i32>} : memref<25600xi32, #tpu.memory_space<vmem>>, vector<16xi32>,
      %add3A_432 = arith.constant 16384 : i32
      %add3A_433 = vector.broadcast %add3A_432 : i32 to vector<16xi32>
      %add3A_434 = arith.addi %mul3A_6, %add3A_433 : vector<16xi32>
      %add3A_435 = arith.addi %add3A_434, %get3A_431 : vector<16xi32>
      tpu.vector_store_idx %arg5[%add3A_435], %broadcast_in_dim3A_9 : memref<20480xf32, #tpu.memory_space<vmem>>[vector<16xi32>], vector<16xf32>,
      %mul3A_436 = arith.constant 160 : i32
      %mul3A_437 = arith.muli %sub3A_345, %mul3A_436 : i32
      %add3A_438 = arith.constant 144 : i32
      %add3A_439 = arith.addi %mul3A_437, %add3A_438 : i32
      %get3A_440 = arith.index_cast %add3A_439 : i32 to index
      %get3A_441 = tpu.vector_load %arg4[%get3A_440] {strides = array<i32>} : memref<25600xi32, #tpu.memory_space<vmem>>, vector<16xi32>,
      %add3A_442 = arith.constant 18432 : i32
      %add3A_443 = vector.broadcast %add3A_442 : i32 to vector<16xi32>
      %add3A_444 = arith.addi %mul3A_6, %add3A_443 : vector<16xi32>
      %add3A_445 = arith.addi %add3A_444, %get3A_441 : vector<16xi32>
      tpu.vector_store_idx %arg5[%add3A_445], %broadcast_in_dim3A_9 : memref<20480xf32, #tpu.memory_space<vmem>>[vector<16xi32>], vector<16xf32>,
      %mul3A_446 = arith.constant 160 : i32
      %mul3A_447 = arith.muli %add3A_337, %mul3A_446 : i32
      %add3A_448 = arith.constant 0 : i32
      %add3A_449 = arith.addi %mul3A_447, %add3A_448 : i32
      %get3A_450 = arith.index_cast %add3A_449 : i32 to index
      %get3A_451 = tpu.vector_load %arg4[%get3A_450] {strides = array<i32>} : memref<25600xi32, #tpu.memory_space<vmem>>, vector<16xi32>,
      %add3A_452 = arith.constant 0 : i32
      %add3A_453 = vector.broadcast %add3A_452 : i32 to vector<16xi32>
      %add3A_454 = arith.addi %mul3A_6, %add3A_453 : vector<16xi32>
      %add3A_455 = arith.addi %add3A_454, %get3A_451 : vector<16xi32>
      tpu.vector_store_idx %arg5[%add3A_455], %broadcast_in_dim3A_7 : memref<20480xf32, #tpu.memory_space<vmem>>[vector<16xi32>], vector<16xf32>,
      %mul3A_456 = arith.constant 160 : i32
      %mul3A_457 = arith.muli %add3A_337, %mul3A_456 : i32
      %add3A_458 = arith.constant 16 : i32
      %add3A_459 = arith.addi %mul3A_457, %add3A_458 : i32
      %get3A_460 = arith.index_cast %add3A_459 : i32 to index
      %get3A_461 = tpu.vector_load %arg4[%get3A_460] {strides = array<i32>} : memref<25600xi32, #tpu.memory_space<vmem>>, vector<16xi32>,
      %add3A_462 = arith.constant 2048 : i32
      %add3A_463 = vector.broadcast %add3A_462 : i32 to vector<16xi32>
      %add3A_464 = arith.addi %mul3A_6, %add3A_463 : vector<16xi32>
      %add3A_465 = arith.addi %add3A_464, %get3A_461 : vector<16xi32>
      tpu.vector_store_idx %arg5[%add3A_465], %broadcast_in_dim3A_7 : memref<20480xf32, #tpu.memory_space<vmem>>[vector<16xi32>], vector<16xf32>,
      %mul3A_466 = arith.constant 160 : i32
      %mul3A_467 = arith.muli %add3A_337, %mul3A_466 : i32
      %add3A_468 = arith.constant 32 : i32
      %add3A_469 = arith.addi %mul3A_467, %add3A_468 : i32
      %get3A_470 = arith.index_cast %add3A_469 : i32 to index
      %get3A_471 = tpu.vector_load %arg4[%get3A_470] {strides = array<i32>} : memref<25600xi32, #tpu.memory_space<vmem>>, vector<16xi32>,
      %add3A_472 = arith.constant 4096 : i32
      %add3A_473 = vector.broadcast %add3A_472 : i32 to vector<16xi32>
      %add3A_474 = arith.addi %mul3A_6, %add3A_473 : vector<16xi32>
      %add3A_475 = arith.addi %add3A_474, %get3A_471 : vector<16xi32>
      tpu.vector_store_idx %arg5[%add3A_475], %broadcast_in_dim3A_7 : memref<20480xf32, #tpu.memory_space<vmem>>[vector<16xi32>], vector<16xf32>,
      %mul3A_476 = arith.constant 160 : i32
      %mul3A_477 = arith.muli %add3A_337, %mul3A_476 : i32
      %add3A_478 = arith.constant 48 : i32
      %add3A_479 = arith.addi %mul3A_477, %add3A_478 : i32
      %get3A_480 = arith.index_cast %add3A_479 : i32 to index
      %get3A_481 = tpu.vector_load %arg4[%get3A_480] {strides = array<i32>} : memref<25600xi32, #tpu.memory_space<vmem>>, vector<16xi32>,
      %add3A_482 = arith.constant 6144 : i32
      %add3A_483 = vector.broadcast %add3A_482 : i32 to vector<16xi32>
      %add3A_484 = arith.addi %mul3A_6, %add3A_483 : vector<16xi32>
      %add3A_485 = arith.addi %add3A_484, %get3A_481 : vector<16xi32>
      tpu.vector_store_idx %arg5[%add3A_485], %broadcast_in_dim3A_7 : memref<20480xf32, #tpu.memory_space<vmem>>[vector<16xi32>], vector<16xf32>,
      %mul3A_486 = arith.constant 160 : i32
      %mul3A_487 = arith.muli %add3A_337, %mul3A_486 : i32
      %add3A_488 = arith.constant 64 : i32
      %add3A_489 = arith.addi %mul3A_487, %add3A_488 : i32
      %get3A_490 = arith.index_cast %add3A_489 : i32 to index
      %get3A_491 = tpu.vector_load %arg4[%get3A_490] {strides = array<i32>} : memref<25600xi32, #tpu.memory_space<vmem>>, vector<16xi32>,
      %add3A_492 = arith.constant 8192 : i32
      %add3A_493 = vector.broadcast %add3A_492 : i32 to vector<16xi32>
      %add3A_494 = arith.addi %mul3A_6, %add3A_493 : vector<16xi32>
      %add3A_495 = arith.addi %add3A_494, %get3A_491 : vector<16xi32>
      tpu.vector_store_idx %arg5[%add3A_495], %broadcast_in_dim3A_7 : memref<20480xf32, #tpu.memory_space<vmem>>[vector<16xi32>], vector<16xf32>,
      %mul3A_496 = arith.constant 160 : i32
      %mul3A_497 = arith.muli %add3A_337, %mul3A_496 : i32
      %add3A_498 = arith.constant 80 : i32
      %add3A_499 = arith.addi %mul3A_497, %add3A_498 : i32
      %get3A_500 = arith.index_cast %add3A_499 : i32 to index
      %get3A_501 = tpu.vector_load %arg4[%get3A_500] {strides = array<i32>} : memref<25600xi32, #tpu.memory_space<vmem>>, vector<16xi32>,
      %add3A_502 = arith.constant 10240 : i32
      %add3A_503 = vector.broadcast %add3A_502 : i32 to vector<16xi32>
      %add3A_504 = arith.addi %mul3A_6, %add3A_503 : vector<16xi32>
      %add3A_505 = arith.addi %add3A_504, %get3A_501 : vector<16xi32>
      tpu.vector_store_idx %arg5[%add3A_505], %broadcast_in_dim3A_7 : memref<20480xf32, #tpu.memory_space<vmem>>[vector<16xi32>], vector<16xf32>,
      %mul3A_506 = arith.constant 160 : i32
      %mul3A_507 = arith.muli %add3A_337, %mul3A_506 : i32
      %add3A_508 = arith.constant 96 : i32
      %add3A_509 = arith.addi %mul3A_507, %add3A_508 : i32
      %get3A_510 = arith.index_cast %add3A_509 : i32 to index
      %get3A_511 = tpu.vector_load %arg4[%get3A_510] {strides = array<i32>} : memref<25600xi32, #tpu.memory_space<vmem>>, vector<16xi32>,
      %add3A_512 = arith.constant 12288 : i32
      %add3A_513 = vector.broadcast %add3A_512 : i32 to vector<16xi32>
      %add3A_514 = arith.addi %mul3A_6, %add3A_513 : vector<16xi32>
      %add3A_515 = arith.addi %add3A_514, %get3A_511 : vector<16xi32>
      tpu.vector_store_idx %arg5[%add3A_515], %broadcast_in_dim3A_7 : memref<20480xf32, #tpu.memory_space<vmem>>[vector<16xi32>], vector<16xf32>,
      %mul3A_516 = arith.constant 160 : i32
      %mul3A_517 = arith.muli %add3A_337, %mul3A_516 : i32
      %add3A_518 = arith.constant 112 : i32
      %add3A_519 = arith.addi %mul3A_517, %add3A_518 : i32
      %get3A_520 = arith.index_cast %add3A_519 : i32 to index
      %get3A_521 = tpu.vector_load %arg4[%get3A_520] {strides = array<i32>} : memref<25600xi32, #tpu.memory_space<vmem>>, vector<16xi32>,
      %add3A_522 = arith.constant 14336 : i32
      %add3A_523 = vector.broadcast %add3A_522 : i32 to vector<16xi32>
      %add3A_524 = arith.addi %mul3A_6, %add3A_523 : vector<16xi32>
      %add3A_525 = arith.addi %add3A_524, %get3A_521 : vector<16xi32>
      tpu.vector_store_idx %arg5[%add3A_525], %broadcast_in_dim3A_7 : memref<20480xf32, #tpu.memory_space<vmem>>[vector<16xi32>], vector<16xf32>,
      %mul3A_526 = arith.constant 160 : i32
      %mul3A_527 = arith.muli %add3A_337, %mul3A_526 : i32
      %add3A_528 = arith.constant 128 : i32
      %add3A_529 = arith.addi %mul3A_527, %add3A_528 : i32
      %get3A_530 = arith.index_cast %add3A_529 : i32 to index
      %get3A_531 = tpu.vector_load %arg4[%get3A_530] {strides = array<i32>} : memref<25600xi32, #tpu.memory_space<vmem>>, vector<16xi32>,
      %add3A_532 = arith.constant 16384 : i32
      %add3A_533 = vector.broadcast %add3A_532 : i32 to vector<16xi32>
      %add3A_534 = arith.addi %mul3A_6, %add3A_533 : vector<16xi32>
      %add3A_535 = arith.addi %add3A_534, %get3A_531 : vector<16xi32>
      tpu.vector_store_idx %arg5[%add3A_535], %broadcast_in_dim3A_7 : memref<20480xf32, #tpu.memory_space<vmem>>[vector<16xi32>], vector<16xf32>,
      %mul3A_536 = arith.constant 160 : i32
      %mul3A_537 = arith.muli %add3A_337, %mul3A_536 : i32
      %add3A_538 = arith.constant 144 : i32
      %add3A_539 = arith.addi %mul3A_537, %add3A_538 : i32
      %get3A_540 = arith.index_cast %add3A_539 : i32 to index
      %get3A_541 = tpu.vector_load %arg4[%get3A_540] {strides = array<i32>} : memref<25600xi32, #tpu.memory_space<vmem>>, vector<16xi32>,
      %add3A_542 = arith.constant 18432 : i32
      %add3A_543 = vector.broadcast %add3A_542 : i32 to vector<16xi32>
      %add3A_544 = arith.addi %mul3A_6, %add3A_543 : vector<16xi32>
      %add3A_545 = arith.addi %add3A_544, %get3A_541 : vector<16xi32>
      tpu.vector_store_idx %arg5[%add3A_545], %broadcast_in_dim3A_7 : memref<20480xf32, #tpu.memory_space<vmem>>[vector<16xi32>], vector<16xf32>,
      %mul3A_546 = arith.constant 160 : i32
      %mul3A_547 = arith.muli %add3A_337, %mul3A_546 : i32
      %add3A_548 = arith.addi %mul3A_2, %mul3A_547 : i32
      %mul3A_549 = arith.constant 128 : i32
      %mul3A_550 = arith.muli %add3A_548, %mul3A_549 : i32
      %dma_start3A_551 = tpu.memref_slice %arg3[%mul3A_550] : memref<104857600xf32, #tpu.memory_space<hbm>> -> memref<20480xf32, #tpu.memory_space<hbm>>
      %dma_start3A_552 = tpu.memref_slice %arg3[%mul3A_550] : memref<104857600xf32, #tpu.memory_space<hbm>> -> memref<20480xf32, #tpu.memory_space<hbm>>
      tpu.enqueue_dma source(%arg5 : memref<20480xf32, #tpu.memory_space<vmem>>) target(%dma_start3A_552 : memref<20480xf32, #tpu.memory_space<hbm>>) target_semaphore(%arg9 : memref<!tpu.dma_semaphore, #tpu.memory_space<semaphore_mem>>)
      %mul3A_553 = arith.constant 4 : i32
      %mul3A_554 = arith.muli %mul3A_553, %scan3A_332 : i32
      %add3A_555 = arith.constant 1 : i32
      %add3A_556 = arith.addi %mul3A_554, %add3A_555 : i32
      %mul3A_557 = arith.constant 160 : i32
      %mul3A_558 = arith.muli %add3A_556, %mul3A_557 : i32
      %add3A_559 = arith.addi %mul3A_2, %mul3A_558 : i32
      %mul3A_560 = arith.constant 128 : i32
      %mul3A_561 = arith.muli %add3A_559, %mul3A_560 : i32
      %dma_wait3A_562 = tpu.memref_slice %arg3[%mul3A_561] : memref<104857600xf32, #tpu.memory_space<hbm>> -> memref<20480xf32, #tpu.memory_space<hbm>>
      %dma_wait3A_563 = tpu.memref_slice %arg3[%mul3A_561] : memref<104857600xf32, #tpu.memory_space<hbm>> -> memref<20480xf32, #tpu.memory_space<hbm>>
      tpu.wait_dma2 semaphore(%arg10 : memref<!tpu.dma_semaphore, #tpu.memory_space<semaphore_mem>>) src(%arg6 : memref<20480xf32, #tpu.memory_space<vmem>>) dst(%dma_wait3A_563 : memref<20480xf32, #tpu.memory_space<hbm>>)
      %sub3A_564 = arith.constant 4 : i32
      %sub3A_565 = arith.subi %add3A_556, %sub3A_564 : i32
      %mul3A_566 = arith.constant 160 : i32
      %mul3A_567 = arith.muli %sub3A_565, %mul3A_566 : i32
      %add3A_568 = arith.constant 0 : i32
      %add3A_569 = arith.addi %mul3A_567, %add3A_568 : i32
      %get3A_570 = arith.index_cast %add3A_569 : i32 to index
      %get3A_571 = tpu.vector_load %arg4[%get3A_570] {strides = array<i32>} : memref<25600xi32, #tpu.memory_space<vmem>>, vector<16xi32>,
      %add3A_572 = arith.constant 0 : i32
      %add3A_573 = vector.broadcast %add3A_572 : i32 to vector<16xi32>
      %add3A_574 = arith.addi %mul3A_6, %add3A_573 : vector<16xi32>
      %add3A_575 = arith.addi %add3A_574, %get3A_571 : vector<16xi32>
      tpu.vector_store_idx %arg6[%add3A_575], %broadcast_in_dim3A_9 : memref<20480xf32, #tpu.memory_space<vmem>>[vector<16xi32>], vector<16xf32>,
      %mul3A_576 = arith.constant 160 : i32
      %mul3A_577 = arith.muli %sub3A_565, %mul3A_576 : i32
      %add3A_578 = arith.constant 16 : i32
      %add3A_579 = arith.addi %mul3A_577, %add3A_578 : i32
      %get3A_580 = arith.index_cast %add3A_579 : i32 to index
      %get3A_581 = tpu.vector_load %arg4[%get3A_580] {strides = array<i32>} : memref<25600xi32, #tpu.memory_space<vmem>>, vector<16xi32>,
      %add3A_582 = arith.constant 2048 : i32
      %add3A_583 = vector.broadcast %add3A_582 : i32 to vector<16xi32>
      %add3A_584 = arith.addi %mul3A_6, %add3A_583 : vector<16xi32>
      %add3A_585 = arith.addi %add3A_584, %get3A_581 : vector<16xi32>
      tpu.vector_store_idx %arg6[%add3A_585], %broadcast_in_dim3A_9 : memref<20480xf32, #tpu.memory_space<vmem>>[vector<16xi32>], vector<16xf32>,
      %mul3A_586 = arith.constant 160 : i32
      %mul3A_587 = arith.muli %sub3A_565, %mul3A_586 : i32
      %add3A_588 = arith.constant 32 : i32
      %add3A_589 = arith.addi %mul3A_587, %add3A_588 : i32
      %get3A_590 = arith.index_cast %add3A_589 : i32 to index
      %get3A_591 = tpu.vector_load %arg4[%get3A_590] {strides = array<i32>} : memref<25600xi32, #tpu.memory_space<vmem>>, vector<16xi32>,
      %add3A_592 = arith.constant 4096 : i32
      %add3A_593 = vector.broadcast %add3A_592 : i32 to vector<16xi32>
      %add3A_594 = arith.addi %mul3A_6, %add3A_593 : vector<16xi32>
      %add3A_595 = arith.addi %add3A_594, %get3A_591 : vector<16xi32>
      tpu.vector_store_idx %arg6[%add3A_595], %broadcast_in_dim3A_9 : memref<20480xf32, #tpu.memory_space<vmem>>[vector<16xi32>], vector<16xf32>,
      %mul3A_596 = arith.constant 160 : i32
      %mul3A_597 = arith.muli %sub3A_565, %mul3A_596 : i32
      %add3A_598 = arith.constant 48 : i32
      %add3A_599 = arith.addi %mul3A_597, %add3A_598 : i32
      %get3A_600 = arith.index_cast %add3A_599 : i32 to index
      %get3A_601 = tpu.vector_load %arg4[%get3A_600] {strides = array<i32>} : memref<25600xi32, #tpu.memory_space<vmem>>, vector<16xi32>,
      %add3A_602 = arith.constant 6144 : i32
      %add3A_603 = vector.broadcast %add3A_602 : i32 to vector<16xi32>
      %add3A_604 = arith.addi %mul3A_6, %add3A_603 : vector<16xi32>
      %add3A_605 = arith.addi %add3A_604, %get3A_601 : vector<16xi32>
      tpu.vector_store_idx %arg6[%add3A_605], %broadcast_in_dim3A_9 : memref<20480xf32, #tpu.memory_space<vmem>>[vector<16xi32>], vector<16xf32>,
      %mul3A_606 = arith.constant 160 : i32
      %mul3A_607 = arith.muli %sub3A_565, %mul3A_606 : i32
      %add3A_608 = arith.constant 64 : i32
      %add3A_609 = arith.addi %mul3A_607, %add3A_608 : i32
      %get3A_610 = arith.index_cast %add3A_609 : i32 to index
      %get3A_611 = tpu.vector_load %arg4[%get3A_610] {strides = array<i32>} : memref<25600xi32, #tpu.memory_space<vmem>>, vector<16xi32>,
      %add3A_612 = arith.constant 8192 : i32
      %add3A_613 = vector.broadcast %add3A_612 : i32 to vector<16xi32>
      %add3A_614 = arith.addi %mul3A_6, %add3A_613 : vector<16xi32>
      %add3A_615 = arith.addi %add3A_614, %get3A_611 : vector<16xi32>
      tpu.vector_store_idx %arg6[%add3A_615], %broadcast_in_dim3A_9 : memref<20480xf32, #tpu.memory_space<vmem>>[vector<16xi32>], vector<16xf32>,
      %mul3A_616 = arith.constant 160 : i32
      %mul3A_617 = arith.muli %sub3A_565, %mul3A_616 : i32
      %add3A_618 = arith.constant 80 : i32
      %add3A_619 = arith.addi %mul3A_617, %add3A_618 : i32
      %get3A_620 = arith.index_cast %add3A_619 : i32 to index
      %get3A_621 = tpu.vector_load %arg4[%get3A_620] {strides = array<i32>} : memref<25600xi32, #tpu.memory_space<vmem>>, vector<16xi32>,
      %add3A_622 = arith.constant 10240 : i32
      %add3A_623 = vector.broadcast %add3A_622 : i32 to vector<16xi32>
      %add3A_624 = arith.addi %mul3A_6, %add3A_623 : vector<16xi32>
      %add3A_625 = arith.addi %add3A_624, %get3A_621 : vector<16xi32>
      tpu.vector_store_idx %arg6[%add3A_625], %broadcast_in_dim3A_9 : memref<20480xf32, #tpu.memory_space<vmem>>[vector<16xi32>], vector<16xf32>,
      %mul3A_626 = arith.constant 160 : i32
      %mul3A_627 = arith.muli %sub3A_565, %mul3A_626 : i32
      %add3A_628 = arith.constant 96 : i32
      %add3A_629 = arith.addi %mul3A_627, %add3A_628 : i32
      %get3A_630 = arith.index_cast %add3A_629 : i32 to index
      %get3A_631 = tpu.vector_load %arg4[%get3A_630] {strides = array<i32>} : memref<25600xi32, #tpu.memory_space<vmem>>, vector<16xi32>,
      %add3A_632 = arith.constant 12288 : i32
      %add3A_633 = vector.broadcast %add3A_632 : i32 to vector<16xi32>
      %add3A_634 = arith.addi %mul3A_6, %add3A_633 : vector<16xi32>
      %add3A_635 = arith.addi %add3A_634, %get3A_631 : vector<16xi32>
      tpu.vector_store_idx %arg6[%add3A_635], %broadcast_in_dim3A_9 : memref<20480xf32, #tpu.memory_space<vmem>>[vector<16xi32>], vector<16xf32>,
      %mul3A_636 = arith.constant 160 : i32
      %mul3A_637 = arith.muli %sub3A_565, %mul3A_636 : i32
      %add3A_638 = arith.constant 112 : i32
      %add3A_639 = arith.addi %mul3A_637, %add3A_638 : i32
      %get3A_640 = arith.index_cast %add3A_639 : i32 to index
      %get3A_641 = tpu.vector_load %arg4[%get3A_640] {strides = array<i32>} : memref<25600xi32, #tpu.memory_space<vmem>>, vector<16xi32>,
      %add3A_642 = arith.constant 14336 : i32
      %add3A_643 = vector.broadcast %add3A_642 : i32 to vector<16xi32>
      %add3A_644 = arith.addi %mul3A_6, %add3A_643 : vector<16xi32>
      %add3A_645 = arith.addi %add3A_644, %get3A_641 : vector<16xi32>
      tpu.vector_store_idx %arg6[%add3A_645], %broadcast_in_dim3A_9 : memref<20480xf32, #tpu.memory_space<vmem>>[vector<16xi32>], vector<16xf32>,
      %mul3A_646 = arith.constant 160 : i32
      %mul3A_647 = arith.muli %sub3A_565, %mul3A_646 : i32
      %add3A_648 = arith.constant 128 : i32
      %add3A_649 = arith.addi %mul3A_647, %add3A_648 : i32
      %get3A_650 = arith.index_cast %add3A_649 : i32 to index
      %get3A_651 = tpu.vector_load %arg4[%get3A_650] {strides = array<i32>} : memref<25600xi32, #tpu.memory_space<vmem>>, vector<16xi32>,
      %add3A_652 = arith.constant 16384 : i32
      %add3A_653 = vector.broadcast %add3A_652 : i32 to vector<16xi32>
      %add3A_654 = arith.addi %mul3A_6, %add3A_653 : vector<16xi32>
      %add3A_655 = arith.addi %add3A_654, %get3A_651 : vector<16xi32>
      tpu.vector_store_idx %arg6[%add3A_655], %broadcast_in_dim3A_9 : memref<20480xf32, #tpu.memory_space<vmem>>[vector<16xi32>], vector<16xf32>,
      %mul3A_656 = arith.constant 160 : i32
      %mul3A_657 = arith.muli %sub3A_565, %mul3A_656 : i32
      %add3A_658 = arith.constant 144 : i32
      %add3A_659 = arith.addi %mul3A_657, %add3A_658 : i32
      %get3A_660 = arith.index_cast %add3A_659 : i32 to index
      %get3A_661 = tpu.vector_load %arg4[%get3A_660] {strides = array<i32>} : memref<25600xi32, #tpu.memory_space<vmem>>, vector<16xi32>,
      %add3A_662 = arith.constant 18432 : i32
      %add3A_663 = vector.broadcast %add3A_662 : i32 to vector<16xi32>
      %add3A_664 = arith.addi %mul3A_6, %add3A_663 : vector<16xi32>
      %add3A_665 = arith.addi %add3A_664, %get3A_661 : vector<16xi32>
      tpu.vector_store_idx %arg6[%add3A_665], %broadcast_in_dim3A_9 : memref<20480xf32, #tpu.memory_space<vmem>>[vector<16xi32>], vector<16xf32>,
      %mul3A_666 = arith.constant 160 : i32
      %mul3A_667 = arith.muli %add3A_556, %mul3A_666 : i32
      %add3A_668 = arith.constant 0 : i32
      %add3A_669 = arith.addi %mul3A_667, %add3A_668 : i32
      %get3A_670 = arith.index_cast %add3A_669 : i32 to index
      %get3A_671 = tpu.vector_load %arg4[%get3A_670] {strides = array<i32>} : memref<25600xi32, #tpu.memory_space<vmem>>, vector<16xi32>,
      %add3A_672 = arith.constant 0 : i32
      %add3A_673 = vector.broadcast %add3A_672 : i32 to vector<16xi32>
      %add3A_674 = arith.addi %mul3A_6, %add3A_673 : vector<16xi32>
      %add3A_675 = arith.addi %add3A_674, %get3A_671 : vector<16xi32>
      tpu.vector_store_idx %arg6[%add3A_675], %broadcast_in_dim3A_7 : memref<20480xf32, #tpu.memory_space<vmem>>[vector<16xi32>], vector<16xf32>,
      %mul3A_676 = arith.constant 160 : i32
      %mul3A_677 = arith.muli %add3A_556, %mul3A_676 : i32
      %add3A_678 = arith.constant 16 : i32
      %add3A_679 = arith.addi %mul3A_677, %add3A_678 : i32
      %get3A_680 = arith.index_cast %add3A_679 : i32 to index
      %get3A_681 = tpu.vector_load %arg4[%get3A_680] {strides = array<i32>} : memref<25600xi32, #tpu.memory_space<vmem>>, vector<16xi32>,
      %add3A_682 = arith.constant 2048 : i32
      %add3A_683 = vector.broadcast %add3A_682 : i32 to vector<16xi32>
      %add3A_684 = arith.addi %mul3A_6, %add3A_683 : vector<16xi32>
      %add3A_685 = arith.addi %add3A_684, %get3A_681 : vector<16xi32>
      tpu.vector_store_idx %arg6[%add3A_685], %broadcast_in_dim3A_7 : memref<20480xf32, #tpu.memory_space<vmem>>[vector<16xi32>], vector<16xf32>,
      %mul3A_686 = arith.constant 160 : i32
      %mul3A_687 = arith.muli %add3A_556, %mul3A_686 : i32
      %add3A_688 = arith.constant 32 : i32
      %add3A_689 = arith.addi %mul3A_687, %add3A_688 : i32
      %get3A_690 = arith.index_cast %add3A_689 : i32 to index
      %get3A_691 = tpu.vector_load %arg4[%get3A_690] {strides = array<i32>} : memref<25600xi32, #tpu.memory_space<vmem>>, vector<16xi32>,
      %add3A_692 = arith.constant 4096 : i32
      %add3A_693 = vector.broadcast %add3A_692 : i32 to vector<16xi32>
      %add3A_694 = arith.addi %mul3A_6, %add3A_693 : vector<16xi32>
      %add3A_695 = arith.addi %add3A_694, %get3A_691 : vector<16xi32>
      tpu.vector_store_idx %arg6[%add3A_695], %broadcast_in_dim3A_7 : memref<20480xf32, #tpu.memory_space<vmem>>[vector<16xi32>], vector<16xf32>,
      %mul3A_696 = arith.constant 160 : i32
      %mul3A_697 = arith.muli %add3A_556, %mul3A_696 : i32
      %add3A_698 = arith.constant 48 : i32
      %add3A_699 = arith.addi %mul3A_697, %add3A_698 : i32
      %get3A_700 = arith.index_cast %add3A_699 : i32 to index
      %get3A_701 = tpu.vector_load %arg4[%get3A_700] {strides = array<i32>} : memref<25600xi32, #tpu.memory_space<vmem>>, vector<16xi32>,
      %add3A_702 = arith.constant 6144 : i32
      %add3A_703 = vector.broadcast %add3A_702 : i32 to vector<16xi32>
      %add3A_704 = arith.addi %mul3A_6, %add3A_703 : vector<16xi32>
      %add3A_705 = arith.addi %add3A_704, %get3A_701 : vector<16xi32>
      tpu.vector_store_idx %arg6[%add3A_705], %broadcast_in_dim3A_7 : memref<20480xf32, #tpu.memory_space<vmem>>[vector<16xi32>], vector<16xf32>,
      %mul3A_706 = arith.constant 160 : i32
      %mul3A_707 = arith.muli %add3A_556, %mul3A_706 : i32
      %add3A_708 = arith.constant 64 : i32
      %add3A_709 = arith.addi %mul3A_707, %add3A_708 : i32
      %get3A_710 = arith.index_cast %add3A_709 : i32 to index
      %get3A_711 = tpu.vector_load %arg4[%get3A_710] {strides = array<i32>} : memref<25600xi32, #tpu.memory_space<vmem>>, vector<16xi32>,
      %add3A_712 = arith.constant 8192 : i32
      %add3A_713 = vector.broadcast %add3A_712 : i32 to vector<16xi32>
      %add3A_714 = arith.addi %mul3A_6, %add3A_713 : vector<16xi32>
      %add3A_715 = arith.addi %add3A_714, %get3A_711 : vector<16xi32>
      tpu.vector_store_idx %arg6[%add3A_715], %broadcast_in_dim3A_7 : memref<20480xf32, #tpu.memory_space<vmem>>[vector<16xi32>], vector<16xf32>,
      %mul3A_716 = arith.constant 160 : i32
      %mul3A_717 = arith.muli %add3A_556, %mul3A_716 : i32
      %add3A_718 = arith.constant 80 : i32
      %add3A_719 = arith.addi %mul3A_717, %add3A_718 : i32
      %get3A_720 = arith.index_cast %add3A_719 : i32 to index
      %get3A_721 = tpu.vector_load %arg4[%get3A_720] {strides = array<i32>} : memref<25600xi32, #tpu.memory_space<vmem>>, vector<16xi32>,
      %add3A_722 = arith.constant 10240 : i32
      %add3A_723 = vector.broadcast %add3A_722 : i32 to vector<16xi32>
      %add3A_724 = arith.addi %mul3A_6, %add3A_723 : vector<16xi32>
      %add3A_725 = arith.addi %add3A_724, %get3A_721 : vector<16xi32>
      tpu.vector_store_idx %arg6[%add3A_725], %broadcast_in_dim3A_7 : memref<20480xf32, #tpu.memory_space<vmem>>[vector<16xi32>], vector<16xf32>,
      %mul3A_726 = arith.constant 160 : i32
      %mul3A_727 = arith.muli %add3A_556, %mul3A_726 : i32
      %add3A_728 = arith.constant 96 : i32
      %add3A_729 = arith.addi %mul3A_727, %add3A_728 : i32
      %get3A_730 = arith.index_cast %add3A_729 : i32 to index
      %get3A_731 = tpu.vector_load %arg4[%get3A_730] {strides = array<i32>} : memref<25600xi32, #tpu.memory_space<vmem>>, vector<16xi32>,
      %add3A_732 = arith.constant 12288 : i32
      %add3A_733 = vector.broadcast %add3A_732 : i32 to vector<16xi32>
      %add3A_734 = arith.addi %mul3A_6, %add3A_733 : vector<16xi32>
      %add3A_735 = arith.addi %add3A_734, %get3A_731 : vector<16xi32>
      tpu.vector_store_idx %arg6[%add3A_735], %broadcast_in_dim3A_7 : memref<20480xf32, #tpu.memory_space<vmem>>[vector<16xi32>], vector<16xf32>,
      %mul3A_736 = arith.constant 160 : i32
      %mul3A_737 = arith.muli %add3A_556, %mul3A_736 : i32
      %add3A_738 = arith.constant 112 : i32
      %add3A_739 = arith.addi %mul3A_737, %add3A_738 : i32
      %get3A_740 = arith.index_cast %add3A_739 : i32 to index
      %get3A_741 = tpu.vector_load %arg4[%get3A_740] {strides = array<i32>} : memref<25600xi32, #tpu.memory_space<vmem>>, vector<16xi32>,
      %add3A_742 = arith.constant 14336 : i32
      %add3A_743 = vector.broadcast %add3A_742 : i32 to vector<16xi32>
      %add3A_744 = arith.addi %mul3A_6, %add3A_743 : vector<16xi32>
      %add3A_745 = arith.addi %add3A_744, %get3A_741 : vector<16xi32>
      tpu.vector_store_idx %arg6[%add3A_745], %broadcast_in_dim3A_7 : memref<20480xf32, #tpu.memory_space<vmem>>[vector<16xi32>], vector<16xf32>,
      %mul3A_746 = arith.constant 160 : i32
      %mul3A_747 = arith.muli %add3A_556, %mul3A_746 : i32
      %add3A_748 = arith.constant 128 : i32
      %add3A_749 = arith.addi %mul3A_747, %add3A_748 : i32
      %get3A_750 = arith.index_cast %add3A_749 : i32 to index
      %get3A_751 = tpu.vector_load %arg4[%get3A_750] {strides = array<i32>} : memref<25600xi32, #tpu.memory_space<vmem>>, vector<16xi32>,
      %add3A_752 = arith.constant 16384 : i32
      %add3A_753 = vector.broadcast %add3A_752 : i32 to vector<16xi32>
      %add3A_754 = arith.addi %mul3A_6, %add3A_753 : vector<16xi32>
      %add3A_755 = arith.addi %add3A_754, %get3A_751 : vector<16xi32>
      tpu.vector_store_idx %arg6[%add3A_755], %broadcast_in_dim3A_7 : memref<20480xf32, #tpu.memory_space<vmem>>[vector<16xi32>], vector<16xf32>,
      %mul3A_756 = arith.constant 160 : i32
      %mul3A_757 = arith.muli %add3A_556, %mul3A_756 : i32
      %add3A_758 = arith.constant 144 : i32
      %add3A_759 = arith.addi %mul3A_757, %add3A_758 : i32
      %get3A_760 = arith.index_cast %add3A_759 : i32 to index
      %get3A_761 = tpu.vector_load %arg4[%get3A_760] {strides = array<i32>} : memref<25600xi32, #tpu.memory_space<vmem>>, vector<16xi32>,
      %add3A_762 = arith.constant 18432 : i32
      %add3A_763 = vector.broadcast %add3A_762 : i32 to vector<16xi32>
      %add3A_764 = arith.addi %mul3A_6, %add3A_763 : vector<16xi32>
      %add3A_765 = arith.addi %add3A_764, %get3A_761 : vector<16xi32>
      tpu.vector_store_idx %arg6[%add3A_765], %broadcast_in_dim3A_7 : memref<20480xf32, #tpu.memory_space<vmem>>[vector<16xi32>], vector<16xf32>,
      %mul3A_766 = arith.constant 160 : i32
      %mul3A_767 = arith.muli %add3A_556, %mul3A_766 : i32
      %add3A_768 = arith.addi %mul3A_2, %mul3A_767 : i32
      %mul3A_769 = arith.constant 128 : i32
      %mul3A_770 = arith.muli %add3A_768, %mul3A_769 : i32
      %dma_start3A_771 = tpu.memref_slice %arg3[%mul3A_770] : memref<104857600xf32, #tpu.memory_space<hbm>> -> memref<20480xf32, #tpu.memory_space<hbm>>
      %dma_start3A_772 = tpu.memref_slice %arg3[%mul3A_770] : memref<104857600xf32, #tpu.memory_space<hbm>> -> memref<20480xf32, #tpu.memory_space<hbm>>
      tpu.enqueue_dma source(%arg6 : memref<20480xf32, #tpu.memory_space<vmem>>) target(%dma_start3A_772 : memref<20480xf32, #tpu.memory_space<hbm>>) target_semaphore(%arg10 : memref<!tpu.dma_semaphore, #tpu.memory_space<semaphore_mem>>)
      %mul3A_773 = arith.constant 4 : i32
      %mul3A_774 = arith.muli %mul3A_773, %scan3A_332 : i32
      %add3A_775 = arith.constant 2 : i32
      %add3A_776 = arith.addi %mul3A_774, %add3A_775 : i32
      %mul3A_777 = arith.constant 160 : i32
      %mul3A_778 = arith.muli %add3A_776, %mul3A_777 : i32
      %add3A_779 = arith.addi %mul3A_2, %mul3A_778 : i32
      %mul3A_780 = arith.constant 128 : i32
      %mul3A_781 = arith.muli %add3A_779, %mul3A_780 : i32
      %dma_wait3A_782 = tpu.memref_slice %arg3[%mul3A_781] : memref<104857600xf32, #tpu.memory_space<hbm>> -> memref<20480xf32, #tpu.memory_space<hbm>>
      %dma_wait3A_783 = tpu.memref_slice %arg3[%mul3A_781] : memref<104857600xf32, #tpu.memory_space<hbm>> -> memref<20480xf32, #tpu.memory_space<hbm>>
      tpu.wait_dma2 semaphore(%arg11 : memref<!tpu.dma_semaphore, #tpu.memory_space<semaphore_mem>>) src(%arg7 : memref<20480xf32, #tpu.memory_space<vmem>>) dst(%dma_wait3A_783 : memref<20480xf32, #tpu.memory_space<hbm>>)
      %sub3A_784 = arith.constant 4 : i32
      %sub3A_785 = arith.subi %add3A_776, %sub3A_784 : i32
      %mul3A_786 = arith.constant 160 : i32
      %mul3A_787 = arith.muli %sub3A_785, %mul3A_786 : i32
      %add3A_788 = arith.constant 0 : i32
      %add3A_789 = arith.addi %mul3A_787, %add3A_788 : i32
      %get3A_790 = arith.index_cast %add3A_789 : i32 to index
      %get3A_791 = tpu.vector_load %arg4[%get3A_790] {strides = array<i32>} : memref<25600xi32, #tpu.memory_space<vmem>>, vector<16xi32>,
      %add3A_792 = arith.constant 0 : i32
      %add3A_793 = vector.broadcast %add3A_792 : i32 to vector<16xi32>
      %add3A_794 = arith.addi %mul3A_6, %add3A_793 : vector<16xi32>
      %add3A_795 = arith.addi %add3A_794, %get3A_791 : vector<16xi32>
      tpu.vector_store_idx %arg7[%add3A_795], %broadcast_in_dim3A_9 : memref<20480xf32, #tpu.memory_space<vmem>>[vector<16xi32>], vector<16xf32>,
      %mul3A_796 = arith.constant 160 : i32
      %mul3A_797 = arith.muli %sub3A_785, %mul3A_796 : i32
      %add3A_798 = arith.constant 16 : i32
      %add3A_799 = arith.addi %mul3A_797, %add3A_798 : i32
      %get3A_800 = arith.index_cast %add3A_799 : i32 to index
      %get3A_801 = tpu.vector_load %arg4[%get3A_800] {strides = array<i32>} : memref<25600xi32, #tpu.memory_space<vmem>>, vector<16xi32>,
      %add3A_802 = arith.constant 2048 : i32
      %add3A_803 = vector.broadcast %add3A_802 : i32 to vector<16xi32>
      %add3A_804 = arith.addi %mul3A_6, %add3A_803 : vector<16xi32>
      %add3A_805 = arith.addi %add3A_804, %get3A_801 : vector<16xi32>
      tpu.vector_store_idx %arg7[%add3A_805], %broadcast_in_dim3A_9 : memref<20480xf32, #tpu.memory_space<vmem>>[vector<16xi32>], vector<16xf32>,
      %mul3A_806 = arith.constant 160 : i32
      %mul3A_807 = arith.muli %sub3A_785, %mul3A_806 : i32
      %add3A_808 = arith.constant 32 : i32
      %add3A_809 = arith.addi %mul3A_807, %add3A_808 : i32
      %get3A_810 = arith.index_cast %add3A_809 : i32 to index
      %get3A_811 = tpu.vector_load %arg4[%get3A_810] {strides = array<i32>} : memref<25600xi32, #tpu.memory_space<vmem>>, vector<16xi32>,
      %add3A_812 = arith.constant 4096 : i32
      %add3A_813 = vector.broadcast %add3A_812 : i32 to vector<16xi32>
      %add3A_814 = arith.addi %mul3A_6, %add3A_813 : vector<16xi32>
      %add3A_815 = arith.addi %add3A_814, %get3A_811 : vector<16xi32>
      tpu.vector_store_idx %arg7[%add3A_815], %broadcast_in_dim3A_9 : memref<20480xf32, #tpu.memory_space<vmem>>[vector<16xi32>], vector<16xf32>,
      %mul3A_816 = arith.constant 160 : i32
      %mul3A_817 = arith.muli %sub3A_785, %mul3A_816 : i32
      %add3A_818 = arith.constant 48 : i32
      %add3A_819 = arith.addi %mul3A_817, %add3A_818 : i32
      %get3A_820 = arith.index_cast %add3A_819 : i32 to index
      %get3A_821 = tpu.vector_load %arg4[%get3A_820] {strides = array<i32>} : memref<25600xi32, #tpu.memory_space<vmem>>, vector<16xi32>,
      %add3A_822 = arith.constant 6144 : i32
      %add3A_823 = vector.broadcast %add3A_822 : i32 to vector<16xi32>
      %add3A_824 = arith.addi %mul3A_6, %add3A_823 : vector<16xi32>
      %add3A_825 = arith.addi %add3A_824, %get3A_821 : vector<16xi32>
      tpu.vector_store_idx %arg7[%add3A_825], %broadcast_in_dim3A_9 : memref<20480xf32, #tpu.memory_space<vmem>>[vector<16xi32>], vector<16xf32>,
      %mul3A_826 = arith.constant 160 : i32
      %mul3A_827 = arith.muli %sub3A_785, %mul3A_826 : i32
      %add3A_828 = arith.constant 64 : i32
      %add3A_829 = arith.addi %mul3A_827, %add3A_828 : i32
      %get3A_830 = arith.index_cast %add3A_829 : i32 to index
      %get3A_831 = tpu.vector_load %arg4[%get3A_830] {strides = array<i32>} : memref<25600xi32, #tpu.memory_space<vmem>>, vector<16xi32>,
      %add3A_832 = arith.constant 8192 : i32
      %add3A_833 = vector.broadcast %add3A_832 : i32 to vector<16xi32>
      %add3A_834 = arith.addi %mul3A_6, %add3A_833 : vector<16xi32>
      %add3A_835 = arith.addi %add3A_834, %get3A_831 : vector<16xi32>
      tpu.vector_store_idx %arg7[%add3A_835], %broadcast_in_dim3A_9 : memref<20480xf32, #tpu.memory_space<vmem>>[vector<16xi32>], vector<16xf32>,
      %mul3A_836 = arith.constant 160 : i32
      %mul3A_837 = arith.muli %sub3A_785, %mul3A_836 : i32
      %add3A_838 = arith.constant 80 : i32
      %add3A_839 = arith.addi %mul3A_837, %add3A_838 : i32
      %get3A_840 = arith.index_cast %add3A_839 : i32 to index
      %get3A_841 = tpu.vector_load %arg4[%get3A_840] {strides = array<i32>} : memref<25600xi32, #tpu.memory_space<vmem>>, vector<16xi32>,
      %add3A_842 = arith.constant 10240 : i32
      %add3A_843 = vector.broadcast %add3A_842 : i32 to vector<16xi32>
      %add3A_844 = arith.addi %mul3A_6, %add3A_843 : vector<16xi32>
      %add3A_845 = arith.addi %add3A_844, %get3A_841 : vector<16xi32>
      tpu.vector_store_idx %arg7[%add3A_845], %broadcast_in_dim3A_9 : memref<20480xf32, #tpu.memory_space<vmem>>[vector<16xi32>], vector<16xf32>,
      %mul3A_846 = arith.constant 160 : i32
      %mul3A_847 = arith.muli %sub3A_785, %mul3A_846 : i32
      %add3A_848 = arith.constant 96 : i32
      %add3A_849 = arith.addi %mul3A_847, %add3A_848 : i32
      %get3A_850 = arith.index_cast %add3A_849 : i32 to index
      %get3A_851 = tpu.vector_load %arg4[%get3A_850] {strides = array<i32>} : memref<25600xi32, #tpu.memory_space<vmem>>, vector<16xi32>,
      %add3A_852 = arith.constant 12288 : i32
      %add3A_853 = vector.broadcast %add3A_852 : i32 to vector<16xi32>
      %add3A_854 = arith.addi %mul3A_6, %add3A_853 : vector<16xi32>
      %add3A_855 = arith.addi %add3A_854, %get3A_851 : vector<16xi32>
      tpu.vector_store_idx %arg7[%add3A_855], %broadcast_in_dim3A_9 : memref<20480xf32, #tpu.memory_space<vmem>>[vector<16xi32>], vector<16xf32>,
      %mul3A_856 = arith.constant 160 : i32
      %mul3A_857 = arith.muli %sub3A_785, %mul3A_856 : i32
      %add3A_858 = arith.constant 112 : i32
      %add3A_859 = arith.addi %mul3A_857, %add3A_858 : i32
      %get3A_860 = arith.index_cast %add3A_859 : i32 to index
      %get3A_861 = tpu.vector_load %arg4[%get3A_860] {strides = array<i32>} : memref<25600xi32, #tpu.memory_space<vmem>>, vector<16xi32>,
      %add3A_862 = arith.constant 14336 : i32
      %add3A_863 = vector.broadcast %add3A_862 : i32 to vector<16xi32>
      %add3A_864 = arith.addi %mul3A_6, %add3A_863 : vector<16xi32>
      %add3A_865 = arith.addi %add3A_864, %get3A_861 : vector<16xi32>
      tpu.vector_store_idx %arg7[%add3A_865], %broadcast_in_dim3A_9 : memref<20480xf32, #tpu.memory_space<vmem>>[vector<16xi32>], vector<16xf32>,
      %mul3A_866 = arith.constant 160 : i32
      %mul3A_867 = arith.muli %sub3A_785, %mul3A_866 : i32
      %add3A_868 = arith.constant 128 : i32
      %add3A_869 = arith.addi %mul3A_867, %add3A_868 : i32
      %get3A_870 = arith.index_cast %add3A_869 : i32 to index
      %get3A_871 = tpu.vector_load %arg4[%get3A_870] {strides = array<i32>} : memref<25600xi32, #tpu.memory_space<vmem>>, vector<16xi32>,
      %add3A_872 = arith.constant 16384 : i32
      %add3A_873 = vector.broadcast %add3A_872 : i32 to vector<16xi32>
      %add3A_874 = arith.addi %mul3A_6, %add3A_873 : vector<16xi32>
      %add3A_875 = arith.addi %add3A_874, %get3A_871 : vector<16xi32>
      tpu.vector_store_idx %arg7[%add3A_875], %broadcast_in_dim3A_9 : memref<20480xf32, #tpu.memory_space<vmem>>[vector<16xi32>], vector<16xf32>,
      %mul3A_876 = arith.constant 160 : i32
      %mul3A_877 = arith.muli %sub3A_785, %mul3A_876 : i32
      %add3A_878 = arith.constant 144 : i32
      %add3A_879 = arith.addi %mul3A_877, %add3A_878 : i32
      %get3A_880 = arith.index_cast %add3A_879 : i32 to index
      %get3A_881 = tpu.vector_load %arg4[%get3A_880] {strides = array<i32>} : memref<25600xi32, #tpu.memory_space<vmem>>, vector<16xi32>,
      %add3A_882 = arith.constant 18432 : i32
      %add3A_883 = vector.broadcast %add3A_882 : i32 to vector<16xi32>
      %add3A_884 = arith.addi %mul3A_6, %add3A_883 : vector<16xi32>
      %add3A_885 = arith.addi %add3A_884, %get3A_881 : vector<16xi32>
      tpu.vector_store_idx %arg7[%add3A_885], %broadcast_in_dim3A_9 : memref<20480xf32, #tpu.memory_space<vmem>>[vector<16xi32>], vector<16xf32>,
      %mul3A_886 = arith.constant 160 : i32
      %mul3A_887 = arith.muli %add3A_776, %mul3A_886 : i32
      %add3A_888 = arith.constant 0 : i32
      %add3A_889 = arith.addi %mul3A_887, %add3A_888 : i32
      %get3A_890 = arith.index_cast %add3A_889 : i32 to index
      %get3A_891 = tpu.vector_load %arg4[%get3A_890] {strides = array<i32>} : memref<25600xi32, #tpu.memory_space<vmem>>, vector<16xi32>,
      %add3A_892 = arith.constant 0 : i32
      %add3A_893 = vector.broadcast %add3A_892 : i32 to vector<16xi32>
      %add3A_894 = arith.addi %mul3A_6, %add3A_893 : vector<16xi32>
      %add3A_895 = arith.addi %add3A_894, %get3A_891 : vector<16xi32>
      tpu.vector_store_idx %arg7[%add3A_895], %broadcast_in_dim3A_7 : memref<20480xf32, #tpu.memory_space<vmem>>[vector<16xi32>], vector<16xf32>,
      %mul3A_896 = arith.constant 160 : i32
      %mul3A_897 = arith.muli %add3A_776, %mul3A_896 : i32
      %add3A_898 = arith.constant 16 : i32
      %add3A_899 = arith.addi %mul3A_897, %add3A_898 : i32
      %get3A_900 = arith.index_cast %add3A_899 : i32 to index
      %get3A_901 = tpu.vector_load %arg4[%get3A_900] {strides = array<i32>} : memref<25600xi32, #tpu.memory_space<vmem>>, vector<16xi32>,
      %add3A_902 = arith.constant 2048 : i32
      %add3A_903 = vector.broadcast %add3A_902 : i32 to vector<16xi32>
      %add3A_904 = arith.addi %mul3A_6, %add3A_903 : vector<16xi32>
      %add3A_905 = arith.addi %add3A_904, %get3A_901 : vector<16xi32>
      tpu.vector_store_idx %arg7[%add3A_905], %broadcast_in_dim3A_7 : memref<20480xf32, #tpu.memory_space<vmem>>[vector<16xi32>], vector<16xf32>,
      %mul3A_906 = arith.constant 160 : i32
      %mul3A_907 = arith.muli %add3A_776, %mul3A_906 : i32
      %add3A_908 = arith.constant 32 : i32
      %add3A_909 = arith.addi %mul3A_907, %add3A_908 : i32
      %get3A_910 = arith.index_cast %add3A_909 : i32 to index
      %get3A_911 = tpu.vector_load %arg4[%get3A_910] {strides = array<i32>} : memref<25600xi32, #tpu.memory_space<vmem>>, vector<16xi32>,
      %add3A_912 = arith.constant 4096 : i32
      %add3A_913 = vector.broadcast %add3A_912 : i32 to vector<16xi32>
      %add3A_914 = arith.addi %mul3A_6, %add3A_913 : vector<16xi32>
      %add3A_915 = arith.addi %add3A_914, %get3A_911 : vector<16xi32>
      tpu.vector_store_idx %arg7[%add3A_915], %broadcast_in_dim3A_7 : memref<20480xf32, #tpu.memory_space<vmem>>[vector<16xi32>], vector<16xf32>,
      %mul3A_916 = arith.constant 160 : i32
      %mul3A_917 = arith.muli %add3A_776, %mul3A_916 : i32
      %add3A_918 = arith.constant 48 : i32
      %add3A_919 = arith.addi %mul3A_917, %add3A_918 : i32
      %get3A_920 = arith.index_cast %add3A_919 : i32 to index
      %get3A_921 = tpu.vector_load %arg4[%get3A_920] {strides = array<i32>} : memref<25600xi32, #tpu.memory_space<vmem>>, vector<16xi32>,
      %add3A_922 = arith.constant 6144 : i32
      %add3A_923 = vector.broadcast %add3A_922 : i32 to vector<16xi32>
      %add3A_924 = arith.addi %mul3A_6, %add3A_923 : vector<16xi32>
      %add3A_925 = arith.addi %add3A_924, %get3A_921 : vector<16xi32>
      tpu.vector_store_idx %arg7[%add3A_925], %broadcast_in_dim3A_7 : memref<20480xf32, #tpu.memory_space<vmem>>[vector<16xi32>], vector<16xf32>,
      %mul3A_926 = arith.constant 160 : i32
      %mul3A_927 = arith.muli %add3A_776, %mul3A_926 : i32
      %add3A_928 = arith.constant 64 : i32
      %add3A_929 = arith.addi %mul3A_927, %add3A_928 : i32
      %get3A_930 = arith.index_cast %add3A_929 : i32 to index
      %get3A_931 = tpu.vector_load %arg4[%get3A_930] {strides = array<i32>} : memref<25600xi32, #tpu.memory_space<vmem>>, vector<16xi32>,
      %add3A_932 = arith.constant 8192 : i32
      %add3A_933 = vector.broadcast %add3A_932 : i32 to vector<16xi32>
      %add3A_934 = arith.addi %mul3A_6, %add3A_933 : vector<16xi32>
      %add3A_935 = arith.addi %add3A_934, %get3A_931 : vector<16xi32>
      tpu.vector_store_idx %arg7[%add3A_935], %broadcast_in_dim3A_7 : memref<20480xf32, #tpu.memory_space<vmem>>[vector<16xi32>], vector<16xf32>,
      %mul3A_936 = arith.constant 160 : i32
      %mul3A_937 = arith.muli %add3A_776, %mul3A_936 : i32
      %add3A_938 = arith.constant 80 : i32
      %add3A_939 = arith.addi %mul3A_937, %add3A_938 : i32
      %get3A_940 = arith.index_cast %add3A_939 : i32 to index
      %get3A_941 = tpu.vector_load %arg4[%get3A_940] {strides = array<i32>} : memref<25600xi32, #tpu.memory_space<vmem>>, vector<16xi32>,
      %add3A_942 = arith.constant 10240 : i32
      %add3A_943 = vector.broadcast %add3A_942 : i32 to vector<16xi32>
      %add3A_944 = arith.addi %mul3A_6, %add3A_943 : vector<16xi32>
      %add3A_945 = arith.addi %add3A_944, %get3A_941 : vector<16xi32>
      tpu.vector_store_idx %arg7[%add3A_945], %broadcast_in_dim3A_7 : memref<20480xf32, #tpu.memory_space<vmem>>[vector<16xi32>], vector<16xf32>,
      %mul3A_946 = arith.constant 160 : i32
      %mul3A_947 = arith.muli %add3A_776, %mul3A_946 : i32
      %add3A_948 = arith.constant 96 : i32
      %add3A_949 = arith.addi %mul3A_947, %add3A_948 : i32
      %get3A_950 = arith.index_cast %add3A_949 : i32 to index
      %get3A_951 = tpu.vector_load %arg4[%get3A_950] {strides = array<i32>} : memref<25600xi32, #tpu.memory_space<vmem>>, vector<16xi32>,
      %add3A_952 = arith.constant 12288 : i32
      %add3A_953 = vector.broadcast %add3A_952 : i32 to vector<16xi32>
      %add3A_954 = arith.addi %mul3A_6, %add3A_953 : vector<16xi32>
      %add3A_955 = arith.addi %add3A_954, %get3A_951 : vector<16xi32>
      tpu.vector_store_idx %arg7[%add3A_955], %broadcast_in_dim3A_7 : memref<20480xf32, #tpu.memory_space<vmem>>[vector<16xi32>], vector<16xf32>,
      %mul3A_956 = arith.constant 160 : i32
      %mul3A_957 = arith.muli %add3A_776, %mul3A_956 : i32
      %add3A_958 = arith.constant 112 : i32
      %add3A_959 = arith.addi %mul3A_957, %add3A_958 : i32
      %get3A_960 = arith.index_cast %add3A_959 : i32 to index
      %get3A_961 = tpu.vector_load %arg4[%get3A_960] {strides = array<i32>} : memref<25600xi32, #tpu.memory_space<vmem>>, vector<16xi32>,
      %add3A_962 = arith.constant 14336 : i32
      %add3A_963 = vector.broadcast %add3A_962 : i32 to vector<16xi32>
      %add3A_964 = arith.addi %mul3A_6, %add3A_963 : vector<16xi32>
      %add3A_965 = arith.addi %add3A_964, %get3A_961 : vector<16xi32>
      tpu.vector_store_idx %arg7[%add3A_965], %broadcast_in_dim3A_7 : memref<20480xf32, #tpu.memory_space<vmem>>[vector<16xi32>], vector<16xf32>,
      %mul3A_966 = arith.constant 160 : i32
      %mul3A_967 = arith.muli %add3A_776, %mul3A_966 : i32
      %add3A_968 = arith.constant 128 : i32
      %add3A_969 = arith.addi %mul3A_967, %add3A_968 : i32
      %get3A_970 = arith.index_cast %add3A_969 : i32 to index
      %get3A_971 = tpu.vector_load %arg4[%get3A_970] {strides = array<i32>} : memref<25600xi32, #tpu.memory_space<vmem>>, vector<16xi32>,
      %add3A_972 = arith.constant 16384 : i32
      %add3A_973 = vector.broadcast %add3A_972 : i32 to vector<16xi32>
      %add3A_974 = arith.addi %mul3A_6, %add3A_973 : vector<16xi32>
      %add3A_975 = arith.addi %add3A_974, %get3A_971 : vector<16xi32>
      tpu.vector_store_idx %arg7[%add3A_975], %broadcast_in_dim3A_7 : memref<20480xf32, #tpu.memory_space<vmem>>[vector<16xi32>], vector<16xf32>,
      %mul3A_976 = arith.constant 160 : i32
      %mul3A_977 = arith.muli %add3A_776, %mul3A_976 : i32
      %add3A_978 = arith.constant 144 : i32
      %add3A_979 = arith.addi %mul3A_977, %add3A_978 : i32
      %get3A_980 = arith.index_cast %add3A_979 : i32 to index
      %get3A_981 = tpu.vector_load %arg4[%get3A_980] {strides = array<i32>} : memref<25600xi32, #tpu.memory_space<vmem>>, vector<16xi32>,
      %add3A_982 = arith.constant 18432 : i32
      %add3A_983 = vector.broadcast %add3A_982 : i32 to vector<16xi32>
      %add3A_984 = arith.addi %mul3A_6, %add3A_983 : vector<16xi32>
      %add3A_985 = arith.addi %add3A_984, %get3A_981 : vector<16xi32>
      tpu.vector_store_idx %arg7[%add3A_985], %broadcast_in_dim3A_7 : memref<20480xf32, #tpu.memory_space<vmem>>[vector<16xi32>], vector<16xf32>,
      %mul3A_986 = arith.constant 160 : i32
      %mul3A_987 = arith.muli %add3A_776, %mul3A_986 : i32
      %add3A_988 = arith.addi %mul3A_2, %mul3A_987 : i32
      %mul3A_989 = arith.constant 128 : i32
      %mul3A_990 = arith.muli %add3A_988, %mul3A_989 : i32
      %dma_start3A_991 = tpu.memref_slice %arg3[%mul3A_990] : memref<104857600xf32, #tpu.memory_space<hbm>> -> memref<20480xf32, #tpu.memory_space<hbm>>
      %dma_start3A_992 = tpu.memref_slice %arg3[%mul3A_990] : memref<104857600xf32, #tpu.memory_space<hbm>> -> memref<20480xf32, #tpu.memory_space<hbm>>
      tpu.enqueue_dma source(%arg7 : memref<20480xf32, #tpu.memory_space<vmem>>) target(%dma_start3A_992 : memref<20480xf32, #tpu.memory_space<hbm>>) target_semaphore(%arg11 : memref<!tpu.dma_semaphore, #tpu.memory_space<semaphore_mem>>)
      %mul3A_993 = arith.constant 4 : i32
      %mul3A_994 = arith.muli %mul3A_993, %scan3A_332 : i32
      %add3A_995 = arith.constant 3 : i32
      %add3A_996 = arith.addi %mul3A_994, %add3A_995 : i32
      %mul3A_997 = arith.constant 160 : i32
      %mul3A_998 = arith.muli %add3A_996, %mul3A_997 : i32
      %add3A_999 = arith.addi %mul3A_2, %mul3A_998 : i32
      %mul3A_1000 = arith.constant 128 : i32
      %mul3A_1001 = arith.muli %add3A_999, %mul3A_1000 : i32
      %dma_wait3A_1002 = tpu.memref_slice %arg3[%mul3A_1001] : memref<104857600xf32, #tpu.memory_space<hbm>> -> memref<20480xf32, #tpu.memory_space<hbm>>
      %dma_wait3A_1003 = tpu.memref_slice %arg3[%mul3A_1001] : memref<104857600xf32, #tpu.memory_space<hbm>> -> memref<20480xf32, #tpu.memory_space<hbm>>
      tpu.wait_dma2 semaphore(%arg12 : memref<!tpu.dma_semaphore, #tpu.memory_space<semaphore_mem>>) src(%arg8 : memref<20480xf32, #tpu.memory_space<vmem>>) dst(%dma_wait3A_1003 : memref<20480xf32, #tpu.memory_space<hbm>>)
      %sub3A_1004 = arith.constant 4 : i32
      %sub3A_1005 = arith.subi %add3A_996, %sub3A_1004 : i32
      %mul3A_1006 = arith.constant 160 : i32
      %mul3A_1007 = arith.muli %sub3A_1005, %mul3A_1006 : i32
      %add3A_1008 = arith.constant 0 : i32
      %add3A_1009 = arith.addi %mul3A_1007, %add3A_1008 : i32
      %get3A_1010 = arith.index_cast %add3A_1009 : i32 to index
      %get3A_1011 = tpu.vector_load %arg4[%get3A_1010] {strides = array<i32>} : memref<25600xi32, #tpu.memory_space<vmem>>, vector<16xi32>,
      %add3A_1012 = arith.constant 0 : i32
      %add3A_1013 = vector.broadcast %add3A_1012 : i32 to vector<16xi32>
      %add3A_1014 = arith.addi %mul3A_6, %add3A_1013 : vector<16xi32>
      %add3A_1015 = arith.addi %add3A_1014, %get3A_1011 : vector<16xi32>
      tpu.vector_store_idx %arg8[%add3A_1015], %broadcast_in_dim3A_9 : memref<20480xf32, #tpu.memory_space<vmem>>[vector<16xi32>], vector<16xf32>,
      %mul3A_1016 = arith.constant 160 : i32
      %mul3A_1017 = arith.muli %sub3A_1005, %mul3A_1016 : i32
      %add3A_1018 = arith.constant 16 : i32
      %add3A_1019 = arith.addi %mul3A_1017, %add3A_1018 : i32
      %get3A_1020 = arith.index_cast %add3A_1019 : i32 to index
      %get3A_1021 = tpu.vector_load %arg4[%get3A_1020] {strides = array<i32>} : memref<25600xi32, #tpu.memory_space<vmem>>, vector<16xi32>,
      %add3A_1022 = arith.constant 2048 : i32
      %add3A_1023 = vector.broadcast %add3A_1022 : i32 to vector<16xi32>
      %add3A_1024 = arith.addi %mul3A_6, %add3A_1023 : vector<16xi32>
      %add3A_1025 = arith.addi %add3A_1024, %get3A_1021 : vector<16xi32>
      tpu.vector_store_idx %arg8[%add3A_1025], %broadcast_in_dim3A_9 : memref<20480xf32, #tpu.memory_space<vmem>>[vector<16xi32>], vector<16xf32>,
      %mul3A_1026 = arith.constant 160 : i32
      %mul3A_1027 = arith.muli %sub3A_1005, %mul3A_1026 : i32
      %add3A_1028 = arith.constant 32 : i32
      %add3A_1029 = arith.addi %mul3A_1027, %add3A_1028 : i32
      %get3A_1030 = arith.index_cast %add3A_1029 : i32 to index
      %get3A_1031 = tpu.vector_load %arg4[%get3A_1030] {strides = array<i32>} : memref<25600xi32, #tpu.memory_space<vmem>>, vector<16xi32>,
      %add3A_1032 = arith.constant 4096 : i32
      %add3A_1033 = vector.broadcast %add3A_1032 : i32 to vector<16xi32>
      %add3A_1034 = arith.addi %mul3A_6, %add3A_1033 : vector<16xi32>
      %add3A_1035 = arith.addi %add3A_1034, %get3A_1031 : vector<16xi32>
      tpu.vector_store_idx %arg8[%add3A_1035], %broadcast_in_dim3A_9 : memref<20480xf32, #tpu.memory_space<vmem>>[vector<16xi32>], vector<16xf32>,
      %mul3A_1036 = arith.constant 160 : i32
      %mul3A_1037 = arith.muli %sub3A_1005, %mul3A_1036 : i32
      %add3A_1038 = arith.constant 48 : i32
      %add3A_1039 = arith.addi %mul3A_1037, %add3A_1038 : i32
      %get3A_1040 = arith.index_cast %add3A_1039 : i32 to index
      %get3A_1041 = tpu.vector_load %arg4[%get3A_1040] {strides = array<i32>} : memref<25600xi32, #tpu.memory_space<vmem>>, vector<16xi32>,
      %add3A_1042 = arith.constant 6144 : i32
      %add3A_1043 = vector.broadcast %add3A_1042 : i32 to vector<16xi32>
      %add3A_1044 = arith.addi %mul3A_6, %add3A_1043 : vector<16xi32>
      %add3A_1045 = arith.addi %add3A_1044, %get3A_1041 : vector<16xi32>
      tpu.vector_store_idx %arg8[%add3A_1045], %broadcast_in_dim3A_9 : memref<20480xf32, #tpu.memory_space<vmem>>[vector<16xi32>], vector<16xf32>,
      %mul3A_1046 = arith.constant 160 : i32
      %mul3A_1047 = arith.muli %sub3A_1005, %mul3A_1046 : i32
      %add3A_1048 = arith.constant 64 : i32
      %add3A_1049 = arith.addi %mul3A_1047, %add3A_1048 : i32
      %get3A_1050 = arith.index_cast %add3A_1049 : i32 to index
      %get3A_1051 = tpu.vector_load %arg4[%get3A_1050] {strides = array<i32>} : memref<25600xi32, #tpu.memory_space<vmem>>, vector<16xi32>,
      %add3A_1052 = arith.constant 8192 : i32
      %add3A_1053 = vector.broadcast %add3A_1052 : i32 to vector<16xi32>
      %add3A_1054 = arith.addi %mul3A_6, %add3A_1053 : vector<16xi32>
      %add3A_1055 = arith.addi %add3A_1054, %get3A_1051 : vector<16xi32>
      tpu.vector_store_idx %arg8[%add3A_1055], %broadcast_in_dim3A_9 : memref<20480xf32, #tpu.memory_space<vmem>>[vector<16xi32>], vector<16xf32>,
      %mul3A_1056 = arith.constant 160 : i32
      %mul3A_1057 = arith.muli %sub3A_1005, %mul3A_1056 : i32
      %add3A_1058 = arith.constant 80 : i32
      %add3A_1059 = arith.addi %mul3A_1057, %add3A_1058 : i32
      %get3A_1060 = arith.index_cast %add3A_1059 : i32 to index
      %get3A_1061 = tpu.vector_load %arg4[%get3A_1060] {strides = array<i32>} : memref<25600xi32, #tpu.memory_space<vmem>>, vector<16xi32>,
      %add3A_1062 = arith.constant 10240 : i32
      %add3A_1063 = vector.broadcast %add3A_1062 : i32 to vector<16xi32>
      %add3A_1064 = arith.addi %mul3A_6, %add3A_1063 : vector<16xi32>
      %add3A_1065 = arith.addi %add3A_1064, %get3A_1061 : vector<16xi32>
      tpu.vector_store_idx %arg8[%add3A_1065], %broadcast_in_dim3A_9 : memref<20480xf32, #tpu.memory_space<vmem>>[vector<16xi32>], vector<16xf32>,
      %mul3A_1066 = arith.constant 160 : i32
      %mul3A_1067 = arith.muli %sub3A_1005, %mul3A_1066 : i32
      %add3A_1068 = arith.constant 96 : i32
      %add3A_1069 = arith.addi %mul3A_1067, %add3A_1068 : i32
      %get3A_1070 = arith.index_cast %add3A_1069 : i32 to index
      %get3A_1071 = tpu.vector_load %arg4[%get3A_1070] {strides = array<i32>} : memref<25600xi32, #tpu.memory_space<vmem>>, vector<16xi32>,
      %add3A_1072 = arith.constant 12288 : i32
      %add3A_1073 = vector.broadcast %add3A_1072 : i32 to vector<16xi32>
      %add3A_1074 = arith.addi %mul3A_6, %add3A_1073 : vector<16xi32>
      %add3A_1075 = arith.addi %add3A_1074, %get3A_1071 : vector<16xi32>
      tpu.vector_store_idx %arg8[%add3A_1075], %broadcast_in_dim3A_9 : memref<20480xf32, #tpu.memory_space<vmem>>[vector<16xi32>], vector<16xf32>,
      %mul3A_1076 = arith.constant 160 : i32
      %mul3A_1077 = arith.muli %sub3A_1005, %mul3A_1076 : i32
      %add3A_1078 = arith.constant 112 : i32
      %add3A_1079 = arith.addi %mul3A_1077, %add3A_1078 : i32
      %get3A_1080 = arith.index_cast %add3A_1079 : i32 to index
      %get3A_1081 = tpu.vector_load %arg4[%get3A_1080] {strides = array<i32>} : memref<25600xi32, #tpu.memory_space<vmem>>, vector<16xi32>,
      %add3A_1082 = arith.constant 14336 : i32
      %add3A_1083 = vector.broadcast %add3A_1082 : i32 to vector<16xi32>
      %add3A_1084 = arith.addi %mul3A_6, %add3A_1083 : vector<16xi32>
      %add3A_1085 = arith.addi %add3A_1084, %get3A_1081 : vector<16xi32>
      tpu.vector_store_idx %arg8[%add3A_1085], %broadcast_in_dim3A_9 : memref<20480xf32, #tpu.memory_space<vmem>>[vector<16xi32>], vector<16xf32>,
      %mul3A_1086 = arith.constant 160 : i32
      %mul3A_1087 = arith.muli %sub3A_1005, %mul3A_1086 : i32
      %add3A_1088 = arith.constant 128 : i32
      %add3A_1089 = arith.addi %mul3A_1087, %add3A_1088 : i32
      %get3A_1090 = arith.index_cast %add3A_1089 : i32 to index
      %get3A_1091 = tpu.vector_load %arg4[%get3A_1090] {strides = array<i32>} : memref<25600xi32, #tpu.memory_space<vmem>>, vector<16xi32>,
      %add3A_1092 = arith.constant 16384 : i32
      %add3A_1093 = vector.broadcast %add3A_1092 : i32 to vector<16xi32>
      %add3A_1094 = arith.addi %mul3A_6, %add3A_1093 : vector<16xi32>
      %add3A_1095 = arith.addi %add3A_1094, %get3A_1091 : vector<16xi32>
      tpu.vector_store_idx %arg8[%add3A_1095], %broadcast_in_dim3A_9 : memref<20480xf32, #tpu.memory_space<vmem>>[vector<16xi32>], vector<16xf32>,
      %mul3A_1096 = arith.constant 160 : i32
      %mul3A_1097 = arith.muli %sub3A_1005, %mul3A_1096 : i32
      %add3A_1098 = arith.constant 144 : i32
      %add3A_1099 = arith.addi %mul3A_1097, %add3A_1098 : i32
      %get3A_1100 = arith.index_cast %add3A_1099 : i32 to index
      %get3A_1101 = tpu.vector_load %arg4[%get3A_1100] {strides = array<i32>} : memref<25600xi32, #tpu.memory_space<vmem>>, vector<16xi32>,
      %add3A_1102 = arith.constant 18432 : i32
      %add3A_1103 = vector.broadcast %add3A_1102 : i32 to vector<16xi32>
      %add3A_1104 = arith.addi %mul3A_6, %add3A_1103 : vector<16xi32>
      %add3A_1105 = arith.addi %add3A_1104, %get3A_1101 : vector<16xi32>
      tpu.vector_store_idx %arg8[%add3A_1105], %broadcast_in_dim3A_9 : memref<20480xf32, #tpu.memory_space<vmem>>[vector<16xi32>], vector<16xf32>,
      %mul3A_1106 = arith.constant 160 : i32
      %mul3A_1107 = arith.muli %add3A_996, %mul3A_1106 : i32
      %add3A_1108 = arith.constant 0 : i32
      %add3A_1109 = arith.addi %mul3A_1107, %add3A_1108 : i32
      %get3A_1110 = arith.index_cast %add3A_1109 : i32 to index
      %get3A_1111 = tpu.vector_load %arg4[%get3A_1110] {strides = array<i32>} : memref<25600xi32, #tpu.memory_space<vmem>>, vector<16xi32>,
      %add3A_1112 = arith.constant 0 : i32
      %add3A_1113 = vector.broadcast %add3A_1112 : i32 to vector<16xi32>
      %add3A_1114 = arith.addi %mul3A_6, %add3A_1113 : vector<16xi32>
      %add3A_1115 = arith.addi %add3A_1114, %get3A_1111 : vector<16xi32>
      tpu.vector_store_idx %arg8[%add3A_1115], %broadcast_in_dim3A_7 : memref<20480xf32, #tpu.memory_space<vmem>>[vector<16xi32>], vector<16xf32>,
      %mul3A_1116 = arith.constant 160 : i32
      %mul3A_1117 = arith.muli %add3A_996, %mul3A_1116 : i32
      %add3A_1118 = arith.constant 16 : i32
      %add3A_1119 = arith.addi %mul3A_1117, %add3A_1118 : i32
      %get3A_1120 = arith.index_cast %add3A_1119 : i32 to index
      %get3A_1121 = tpu.vector_load %arg4[%get3A_1120] {strides = array<i32>} : memref<25600xi32, #tpu.memory_space<vmem>>, vector<16xi32>,
      %add3A_1122 = arith.constant 2048 : i32
      %add3A_1123 = vector.broadcast %add3A_1122 : i32 to vector<16xi32>
      %add3A_1124 = arith.addi %mul3A_6, %add3A_1123 : vector<16xi32>
      %add3A_1125 = arith.addi %add3A_1124, %get3A_1121 : vector<16xi32>
      tpu.vector_store_idx %arg8[%add3A_1125], %broadcast_in_dim3A_7 : memref<20480xf32, #tpu.memory_space<vmem>>[vector<16xi32>], vector<16xf32>,
      %mul3A_1126 = arith.constant 160 : i32
      %mul3A_1127 = arith.muli %add3A_996, %mul3A_1126 : i32
      %add3A_1128 = arith.constant 32 : i32
      %add3A_1129 = arith.addi %mul3A_1127, %add3A_1128 : i32
      %get3A_1130 = arith.index_cast %add3A_1129 : i32 to index
      %get3A_1131 = tpu.vector_load %arg4[%get3A_1130] {strides = array<i32>} : memref<25600xi32, #tpu.memory_space<vmem>>, vector<16xi32>,
      %add3A_1132 = arith.constant 4096 : i32
      %add3A_1133 = vector.broadcast %add3A_1132 : i32 to vector<16xi32>
      %add3A_1134 = arith.addi %mul3A_6, %add3A_1133 : vector<16xi32>
      %add3A_1135 = arith.addi %add3A_1134, %get3A_1131 : vector<16xi32>
      tpu.vector_store_idx %arg8[%add3A_1135], %broadcast_in_dim3A_7 : memref<20480xf32, #tpu.memory_space<vmem>>[vector<16xi32>], vector<16xf32>,
      %mul3A_1136 = arith.constant 160 : i32
      %mul3A_1137 = arith.muli %add3A_996, %mul3A_1136 : i32
      %add3A_1138 = arith.constant 48 : i32
      %add3A_1139 = arith.addi %mul3A_1137, %add3A_1138 : i32
      %get3A_1140 = arith.index_cast %add3A_1139 : i32 to index
      %get3A_1141 = tpu.vector_load %arg4[%get3A_1140] {strides = array<i32>} : memref<25600xi32, #tpu.memory_space<vmem>>, vector<16xi32>,
      %add3A_1142 = arith.constant 6144 : i32
      %add3A_1143 = vector.broadcast %add3A_1142 : i32 to vector<16xi32>
      %add3A_1144 = arith.addi %mul3A_6, %add3A_1143 : vector<16xi32>
      %add3A_1145 = arith.addi %add3A_1144, %get3A_1141 : vector<16xi32>
      tpu.vector_store_idx %arg8[%add3A_1145], %broadcast_in_dim3A_7 : memref<20480xf32, #tpu.memory_space<vmem>>[vector<16xi32>], vector<16xf32>,
      %mul3A_1146 = arith.constant 160 : i32
      %mul3A_1147 = arith.muli %add3A_996, %mul3A_1146 : i32
      %add3A_1148 = arith.constant 64 : i32
      %add3A_1149 = arith.addi %mul3A_1147, %add3A_1148 : i32
      %get3A_1150 = arith.index_cast %add3A_1149 : i32 to index
      %get3A_1151 = tpu.vector_load %arg4[%get3A_1150] {strides = array<i32>} : memref<25600xi32, #tpu.memory_space<vmem>>, vector<16xi32>,
      %add3A_1152 = arith.constant 8192 : i32
      %add3A_1153 = vector.broadcast %add3A_1152 : i32 to vector<16xi32>
      %add3A_1154 = arith.addi %mul3A_6, %add3A_1153 : vector<16xi32>
      %add3A_1155 = arith.addi %add3A_1154, %get3A_1151 : vector<16xi32>
      tpu.vector_store_idx %arg8[%add3A_1155], %broadcast_in_dim3A_7 : memref<20480xf32, #tpu.memory_space<vmem>>[vector<16xi32>], vector<16xf32>,
      %mul3A_1156 = arith.constant 160 : i32
      %mul3A_1157 = arith.muli %add3A_996, %mul3A_1156 : i32
      %add3A_1158 = arith.constant 80 : i32
      %add3A_1159 = arith.addi %mul3A_1157, %add3A_1158 : i32
      %get3A_1160 = arith.index_cast %add3A_1159 : i32 to index
      %get3A_1161 = tpu.vector_load %arg4[%get3A_1160] {strides = array<i32>} : memref<25600xi32, #tpu.memory_space<vmem>>, vector<16xi32>,
      %add3A_1162 = arith.constant 10240 : i32
      %add3A_1163 = vector.broadcast %add3A_1162 : i32 to vector<16xi32>
      %add3A_1164 = arith.addi %mul3A_6, %add3A_1163 : vector<16xi32>
      %add3A_1165 = arith.addi %add3A_1164, %get3A_1161 : vector<16xi32>
      tpu.vector_store_idx %arg8[%add3A_1165], %broadcast_in_dim3A_7 : memref<20480xf32, #tpu.memory_space<vmem>>[vector<16xi32>], vector<16xf32>,
      %mul3A_1166 = arith.constant 160 : i32
      %mul3A_1167 = arith.muli %add3A_996, %mul3A_1166 : i32
      %add3A_1168 = arith.constant 96 : i32
      %add3A_1169 = arith.addi %mul3A_1167, %add3A_1168 : i32
      %get3A_1170 = arith.index_cast %add3A_1169 : i32 to index
      %get3A_1171 = tpu.vector_load %arg4[%get3A_1170] {strides = array<i32>} : memref<25600xi32, #tpu.memory_space<vmem>>, vector<16xi32>,
      %add3A_1172 = arith.constant 12288 : i32
      %add3A_1173 = vector.broadcast %add3A_1172 : i32 to vector<16xi32>
      %add3A_1174 = arith.addi %mul3A_6, %add3A_1173 : vector<16xi32>
      %add3A_1175 = arith.addi %add3A_1174, %get3A_1171 : vector<16xi32>
      tpu.vector_store_idx %arg8[%add3A_1175], %broadcast_in_dim3A_7 : memref<20480xf32, #tpu.memory_space<vmem>>[vector<16xi32>], vector<16xf32>,
      %mul3A_1176 = arith.constant 160 : i32
      %mul3A_1177 = arith.muli %add3A_996, %mul3A_1176 : i32
      %add3A_1178 = arith.constant 112 : i32
      %add3A_1179 = arith.addi %mul3A_1177, %add3A_1178 : i32
      %get3A_1180 = arith.index_cast %add3A_1179 : i32 to index
      %get3A_1181 = tpu.vector_load %arg4[%get3A_1180] {strides = array<i32>} : memref<25600xi32, #tpu.memory_space<vmem>>, vector<16xi32>,
      %add3A_1182 = arith.constant 14336 : i32
      %add3A_1183 = vector.broadcast %add3A_1182 : i32 to vector<16xi32>
      %add3A_1184 = arith.addi %mul3A_6, %add3A_1183 : vector<16xi32>
      %add3A_1185 = arith.addi %add3A_1184, %get3A_1181 : vector<16xi32>
      tpu.vector_store_idx %arg8[%add3A_1185], %broadcast_in_dim3A_7 : memref<20480xf32, #tpu.memory_space<vmem>>[vector<16xi32>], vector<16xf32>,
      %mul3A_1186 = arith.constant 160 : i32
      %mul3A_1187 = arith.muli %add3A_996, %mul3A_1186 : i32
      %add3A_1188 = arith.constant 128 : i32
      %add3A_1189 = arith.addi %mul3A_1187, %add3A_1188 : i32
      %get3A_1190 = arith.index_cast %add3A_1189 : i32 to index
      %get3A_1191 = tpu.vector_load %arg4[%get3A_1190] {strides = array<i32>} : memref<25600xi32, #tpu.memory_space<vmem>>, vector<16xi32>,
      %add3A_1192 = arith.constant 16384 : i32
      %add3A_1193 = vector.broadcast %add3A_1192 : i32 to vector<16xi32>
      %add3A_1194 = arith.addi %mul3A_6, %add3A_1193 : vector<16xi32>
      %add3A_1195 = arith.addi %add3A_1194, %get3A_1191 : vector<16xi32>
      tpu.vector_store_idx %arg8[%add3A_1195], %broadcast_in_dim3A_7 : memref<20480xf32, #tpu.memory_space<vmem>>[vector<16xi32>], vector<16xf32>,
      %mul3A_1196 = arith.constant 160 : i32
      %mul3A_1197 = arith.muli %add3A_996, %mul3A_1196 : i32
      %add3A_1198 = arith.constant 144 : i32
      %add3A_1199 = arith.addi %mul3A_1197, %add3A_1198 : i32
      %get3A_1200 = arith.index_cast %add3A_1199 : i32 to index
      %get3A_1201 = tpu.vector_load %arg4[%get3A_1200] {strides = array<i32>} : memref<25600xi32, #tpu.memory_space<vmem>>, vector<16xi32>,
      %add3A_1202 = arith.constant 18432 : i32
      %add3A_1203 = vector.broadcast %add3A_1202 : i32 to vector<16xi32>
      %add3A_1204 = arith.addi %mul3A_6, %add3A_1203 : vector<16xi32>
      %add3A_1205 = arith.addi %add3A_1204, %get3A_1201 : vector<16xi32>
      tpu.vector_store_idx %arg8[%add3A_1205], %broadcast_in_dim3A_7 : memref<20480xf32, #tpu.memory_space<vmem>>[vector<16xi32>], vector<16xf32>,
      %mul3A_1206 = arith.constant 160 : i32
      %mul3A_1207 = arith.muli %add3A_996, %mul3A_1206 : i32
      %add3A_1208 = arith.addi %mul3A_2, %mul3A_1207 : i32
      %mul3A_1209 = arith.constant 128 : i32
      %mul3A_1210 = arith.muli %add3A_1208, %mul3A_1209 : i32
      %dma_start3A_1211 = tpu.memref_slice %arg3[%mul3A_1210] : memref<104857600xf32, #tpu.memory_space<hbm>> -> memref<20480xf32, #tpu.memory_space<hbm>>
      %dma_start3A_1212 = tpu.memref_slice %arg3[%mul3A_1210] : memref<104857600xf32, #tpu.memory_space<hbm>> -> memref<20480xf32, #tpu.memory_space<hbm>>
      tpu.enqueue_dma source(%arg8 : memref<20480xf32, #tpu.memory_space<vmem>>) target(%dma_start3A_1212 : memref<20480xf32, #tpu.memory_space<hbm>>) target_semaphore(%arg12 : memref<!tpu.dma_semaphore, #tpu.memory_space<semaphore_mem>>)
      %scan3A_1213 = arith.constant 0 : i32
      scf.yield %scan3A_1213 : i32
    }
    %scan3A_307 = arith.constant 39 : i32
    %add3A_308 = arith.constant 24960 : i32
    %add3A_309 = arith.addi %mul3A_2, %add3A_308 : i32
    %mul3A_310 = arith.constant 128 : i32
    %mul3A_311 = arith.muli %add3A_309, %mul3A_310 : i32
    %dma_wait3A_312 = tpu.memref_slice %arg3[%mul3A_311] : memref<104857600xf32, #tpu.memory_space<hbm>> -> memref<20480xf32, #tpu.memory_space<hbm>>
    %dma_wait3A_313 = tpu.memref_slice %arg3[%mul3A_311] : memref<104857600xf32, #tpu.memory_space<hbm>> -> memref<20480xf32, #tpu.memory_space<hbm>>
    tpu.wait_dma2 semaphore(%arg9 : memref<!tpu.dma_semaphore, #tpu.memory_space<semaphore_mem>>) src(%arg5 : memref<20480xf32, #tpu.memory_space<vmem>>) dst(%dma_wait3A_313 : memref<20480xf32, #tpu.memory_space<hbm>>)
    %add3A_314 = arith.constant 25120 : i32
    %add3A_315 = arith.addi %mul3A_2, %add3A_314 : i32
    %mul3A_316 = arith.constant 128 : i32
    %mul3A_317 = arith.muli %add3A_315, %mul3A_316 : i32
    %dma_wait3A_318 = tpu.memref_slice %arg3[%mul3A_317] : memref<104857600xf32, #tpu.memory_space<hbm>> -> memref<20480xf32, #tpu.memory_space<hbm>>
    %dma_wait3A_319 = tpu.memref_slice %arg3[%mul3A_317] : memref<104857600xf32, #tpu.memory_space<hbm>> -> memref<20480xf32, #tpu.memory_space<hbm>>
    tpu.wait_dma2 semaphore(%arg10 : memref<!tpu.dma_semaphore, #tpu.memory_space<semaphore_mem>>) src(%arg6 : memref<20480xf32, #tpu.memory_space<vmem>>) dst(%dma_wait3A_319 : memref<20480xf32, #tpu.memory_space<hbm>>)
    %add3A_320 = arith.constant 25280 : i32
    %add3A_321 = arith.addi %mul3A_2, %add3A_320 : i32
    %mul3A_322 = arith.constant 128 : i32
    %mul3A_323 = arith.muli %add3A_321, %mul3A_322 : i32
    %dma_wait3A_324 = tpu.memref_slice %arg3[%mul3A_323] : memref<104857600xf32, #tpu.memory_space<hbm>> -> memref<20480xf32, #tpu.memory_space<hbm>>
    %dma_wait3A_325 = tpu.memref_slice %arg3[%mul3A_323] : memref<104857600xf32, #tpu.memory_space<hbm>> -> memref<20480xf32, #tpu.memory_space<hbm>>
    tpu.wait_dma2 semaphore(%arg11 : memref<!tpu.dma_semaphore, #tpu.memory_space<semaphore_mem>>) src(%arg7 : memref<20480xf32, #tpu.memory_space<vmem>>) dst(%dma_wait3A_325 : memref<20480xf32, #tpu.memory_space<hbm>>)
    %add3A_326 = arith.constant 25440 : i32
    %add3A_327 = arith.addi %mul3A_2, %add3A_326 : i32
    %mul3A_328 = arith.constant 128 : i32
    %mul3A_329 = arith.muli %add3A_327, %mul3A_328 : i32
    %dma_wait3A_330 = tpu.memref_slice %arg3[%mul3A_329] : memref<104857600xf32, #tpu.memory_space<hbm>> -> memref<20480xf32, #tpu.memory_space<hbm>>
    %dma_wait3A_331 = tpu.memref_slice %arg3[%mul3A_329] : memref<104857600xf32, #tpu.memory_space<hbm>> -> memref<20480xf32, #tpu.memory_space<hbm>>
    tpu.wait_dma2 semaphore(%arg12 : memref<!tpu.dma_semaphore, #tpu.memory_space<semaphore_mem>>) src(%arg8 : memref<20480xf32, #tpu.memory_space<vmem>>) dst(%dma_wait3A_331 : memref<20480xf32, #tpu.memory_space<hbm>>)
    return
  }
}

</mosaic_0001>

<sc_bundles>
// kernel: kernel.3.cloned.1.call-start
scs
__scs_entry_jumppad:
0x0: {  	(pc) =	sbr.rel $0x88, $3  }
0x1: {  	(tag) =	ssettag $0x0;
	lr =	simm.s32 $0x1  }
0x2: {  	[smem:$0x3FA0] =	sst lr;
	_ =	strace $0xD0000000  }
0x3: {  	_ = 	snop  }
0x4: {  	_ = 	snop  }
0x5: {  	_ = 	snop  }
0x6: {  	_ = 	snop  }
0x7: {  	_ = 	snop  }
__scs_overlays_trampoline_lowered:
0x8: {  	[smem:$0x3FAF] =	sst s0  }
0x9: {  	[smem:$0x3FB0] =	sst s1  }
0xa: {  	[smem:$0x3FB1] =	sst s2  }
0xb: {  	[smem:$0x3FB2] =	sst s3  }
0xc: {  	[smem:$0x3FB3] =	sst s4  }
0xd: {  	[smem:$0x3FB4] =	sst s5  }
0xe: {  	[smem:$0x3FB5] =	sst s6  }
0xf: {  	[smem:$0x3FB6] =	sst s7  }
0x10: {  	[smem:$0x3FB7] =	sst s8  }
0x11: {  	[smem:$0x3FB8] =	sst s9;
	s0 =	simm.s32 @!p0 $0x0  }
0x12: {  	s1 =	sld [smem:$0x3F9E];
	s0 =	simm.s32 @p0 $0x1  }
0x13: {  	[smem:$0x3FB9] =	sst s0;
	s0 =	simm.s32 @!p1 $0x0  }
0x14: {  	s2 =	sld [smem:$0x3F9D];
	s0 =	simm.s32 @p1 $0x1  }
0x15: {  	[smem:$0x3FBA] =	sst s0;
	s0 =	simm.s32 @!p2 $0x0  }
0x16: {  	s3 =	sld [smem:$0x3FDB];
	s0 =	simm.s32 @p2 $0x1  }
0x17: {  	s4 =	simm.s32 $0x1BF5;
	[smem:$0x3FBC] =	sst s0  }
0x18: {  	s0 =	sld [smem:$0x3F9F];
	_ =	swait.ge [sflag:s4], $0x0  }
0x19: {  	s7 =	sld [smem:$0x3FA0]  }
0x1a: {  	s8 =	sadd.s32 $0xFFFFE003, lr  }
0x1b: {  	s9 =	sadd.s32 $0xFFFFFEF7, lr;
	s5 =	simm.s32 $0xFFFFFFFF;
	p2 =	slt.u32 s8, $0xFFFFF086  }
0x1c: {  	p1 =	slt.u32 s9, $0xF7A;
	s5 =	simm.s32 @!p2 $0x0  }
0x1d: {  	s5 =	simm.s32 @p1 $0x1;
	p0 =	seq.s32 s7, s2  }
0x1e: {  	s7 =	smul.u32 @!p0 $0xF7A, s2;
	p2 =	seq.s32 @!p0 s5, $0x0  }
0x1f: {  	s9 =	smul.u32 $0xF7A, s1;
	s8 =	simm.s32 @!p0 $0x1BF5;
	p2 =	por !p2, p0  }
0x20: {  	[sflag:s8] =	ssyncset.s32 @!p0 $0xFFFFF086;
	s6 =	sadd.s32 @!p0 s3, s7;
	s7 =	simm.s32 @!p0 $0x108  }
0x21: {  	s3 =	sadd.s32 s3, s9;
	s6 =	sadd.s32 @!p0 $0x88, s6;
	s7 =	simm.s32 @p2 $0x1082  }
0x22: {  	[simem:s7], [sflag:s8] =	dma.local @!p0 [hbm:s6], $0xF7A  }
0x23: {  	s9 =	sor.u32 $0xD0000000, s2;
	s6 =	simm.s32 $0x108;
	_ =	swait.ge @!p0 [sflag:s8], $0x0  }
0x24: {  	s3 =	sadd.s32 $0x88, s3;
	s6 =	simm.s32 @!p1 $0x1082;
	[sflag:s4] =	ssyncset.s32 $0xFFFFF086  }
0x25: {  	[simem:s6], [sflag:s4] =	dma.local [hbm:s3], $0xF7A  }
0x26: {  	[smem:$0x3FA0] =	sst s1;
	(tag) =	ssettag s2;
	_ =	strace s9  }
0x27: {  	s1 =	sld [smem:$0x3FB0]  }
0x28: {  	s2 =	sld [smem:$0x3FB1]  }
0x29: {  	s4 =	sld [smem:$0x3FB3]  }
0x2a: {  	p0 =	seq.s32 s5, $0x0;
	s5 =	sld [smem:$0x3FB4]  }
0x2b: {  	s6 =	sld [smem:$0x3FB5]  }
0x2c: {  	s7 =	sld [smem:$0x3FB6]  }
0x2d: {  	s3 =	simm.s32 $0x108;
	s8 =	sld [smem:$0x3FB7]  }
0x2e: {  	s3 =	simm.s32 @!p0 $0x1082;
	s9 =	sld [smem:$0x3FB8]  }
0x2f: {  	lr =	sadd.s32 s0, s3;
	s0 =	sld [smem:$0x3FAF]  }
0x30: {  	s3 =	sld [smem:$0x3FB2]  }
0x31: {  	[smem:$0x3FBB] =	sst s10  }
0x32: {  	s10 =	sld [smem:$0x3FB9];
	_ =	sdelay $0x3  }
0x33: {  	p0 =	seq.s32 s10, $0x1;
	s10 =	sld [smem:$0x3FBB];
	_ =	sdelay $0x3  }
0x34: {  	[smem:$0x3FBB] =	sst s10  }
0x35: {  	s10 =	sld [smem:$0x3FBA];
	_ =	sdelay $0x3  }
0x36: {  	p1 =	seq.s32 s10, $0x1;
	s10 =	sld [smem:$0x3FBB];
	_ =	sdelay $0x3  }
0x37: {  	[smem:$0x3FBB] =	sst s10  }
0x38: {  	s10 =	sld [smem:$0x3FBC]  }
0x39: {  	_ = 	snop;
	(pc) =	sbr.ind lr, $3  }
0x3a: {  	_ = 	snop  }
0x3b: {  	_ = 	snop  }
0x3c: {  	p2 =	seq.s32 s10, $0x1;
	s10 =	sld [smem:$0x3FBB]  }
0x3d: {  	_ =	shalt  }
0x3e: {  	_ =	shalt  }
0x3f: {  	_ =	shalt  }
0x40: {  	_ =	shalt  }
0x41: {  	_ =	shalt  }
0x42: {  	_ =	shalt  }
0x43: {  	_ =	shalt  }
0x44: {  	_ =	shalt  }
0x45: {  	_ =	shalt  }
0x46: {  	_ =	shalt  }
0x47: {  	_ =	shalt  }
0x48: {  	_ =	shalt  }
0x49: {  	_ =	shalt  }
0x4a: {  	_ =	shalt  }
0x4b: {  	_ =	shalt  }
0x4c: {  	_ =	shalt  }
0x4d: {  	_ =	shalt  }
0x4e: {  	_ =	shalt  }
0x4f: {  	_ =	shalt  }
0x50: {  	_ =	shalt  }
0x51: {  	_ =	shalt  }
0x52: {  	_ =	shalt  }
0x53: {  	_ =	shalt  }
0x54: {  	_ =	shalt  }
0x55: {  	_ =	shalt  }
0x56: {  	_ =	shalt  }
0x57: {  	_ =	shalt  }
0x58: {  	_ =	shalt  }
0x59: {  	_ =	shalt  }
0x5a: {  	_ =	shalt  }
0x5b: {  	_ =	shalt  }
0x5c: {  	_ =	shalt  }
0x5d: {  	_ =	shalt  }
0x5e: {  	_ =	shalt  }
0x5f: {  	_ =	shalt  }
0x60: {  	_ =	shalt  }
0x61: {  	_ =	shalt  }
0x62: {  	_ =	shalt  }
0x63: {  	_ =	shalt  }
0x64: {  	_ =	shalt  }
0x65: {  	_ =	shalt  }
0x66: {  	_ =	shalt  }
0x67: {  	_ =	shalt  }
0x68: {  	_ =	shalt  }
0x69: {  	_ =	shalt  }
0x6a: {  	_ =	shalt  }
0x6b: {  	_ =	shalt  }
0x6c: {  	_ =	shalt  }
0x6d: {  	_ =	shalt  }
0x6e: {  	_ =	shalt  }
0x6f: {  	_ =	shalt  }
0x70: {  	_ =	shalt  }
0x71: {  	_ =	shalt  }
0x72: {  	_ =	shalt  }
0x73: {  	_ =	shalt  }
0x74: {  	_ =	shalt  }
0x75: {  	_ =	shalt  }
0x76: {  	_ =	shalt  }
0x77: {  	_ =	shalt  }
0x78: {  	_ =	shalt  }
0x79: {  	_ =	shalt  }
0x7a: {  	_ =	shalt  }
0x7b: {  	_ =	shalt  }
0x7c: {  	_ =	shalt  }
0x7d: {  	_ =	shalt  }
0x7e: {  	_ =	shalt  }
0x7f: {  	_ =	shalt  }
0x80: {  	_ =	shalt  }
0x81: {  	_ =	shalt  }
0x82: {  	_ =	shalt  }
0x83: {  	_ =	shalt  }
0x84: {  	_ =	shalt  }
0x85: {  	_ =	shalt  }
0x86: {  	_ =	shalt  }
0x87: {  	_ =	shalt  }
.Lfunc_end0:
.L_simem_size_0:
called_computation_lowered:
.L_overlay_start_0:
0x88: {  	s2 =	sld [smem:$0x3FD9]  }
0x89: {  	s3 =	sld [smem:$0x3FFE];
	_ =	sdelay $0x1  }
0x8a: {  	s1 =	srdreg.scid  }
0x8b: {  	s0 =	sand.u32 $0x1, s1  }
0x8c: {  	s17 =	sshll.u32 s0, $0xA;
	s2 =	sadd.s32 s3, s2  }
0x8d: {  	s2 =	sadd.s32 s2, s17  }
0x8e: {  	[smem:$0x3FC7] =	sst s2  }
0x8f: {  	_ = 	snop  }
0x90: {  	s2 =	sld [smem:$0x3FD0];
	(tm) =	ssettm $0x1  }
0x91: {  	s18 =	sld [smem:$0x3FFB];
	_ =	sdelay $0x3  }
0x92: {  	_ =	strace s18  }
0x93: {  	s3 =	sld [smem:$0x3FFC];
	_ =	sdelay $0x3  }
0x94: {  	_ =	strace s3  }
0x95: {  	s3 =	sld [smem:$0x3FFD];
	_ =	sdelay $0x3  }
0x96: {  	_ =	strace s3  }
0x97: {  	_ =	strace $0x8FFFFFFF  }
0x98: {  	s19 =	sld [smem:$0x3FDB];
	_ =	sdelay $0x1  }
0x99: {  	s4 =	simm.s32 $_scs_section_size  }
0x9a: {  	s5 =	simm.s32 $_size__tile_overlayer_lowered;
	s6 =	simm.s32 $_tile_overlayer_lowered  }
0x9b: {  	s22 =	simm.s32 $0x1BFF;
	s21 =	sshll.u32 s6, $0x1;
	s3 =	sadd.s32 s4, s19  }
0x9c: {  	s7 =	simm.s32 $0x0;
	s20 =	sshll.u32 s5, $0x1;
	s5 =	sadd.s32 s21, s3  }
0x9d: {  	[timem:s7], [sflag:s22] =	dma.local [hbm:s5], s20  }
0x9e: {  	_ =	swait.ge [sflag:s22], s20  }
0x9f: {  	s4 =	ssub.s32 $0x0, s20;
	[sflag:s22] =	ssyncset.done $0x0  }
0xa0: {  	[sflag:s22] =	ssyncadd.s32 s4;
	_ =	sdelay $0x1  }
0xa1: {  	s23 =	simm.s32 $0x1B8B  }
0xa2: {  	_ =	swait.ge [sflag:s23], $0x1  }
0xa3: {  	[sflag:s23] =	ssyncset.done $0x0  }
0xa4: {  	s25 =	simm.s32 $0x1B8E;
	s24 =	sld [smem:$0x3FFE];
	[sflag:s23] =	ssyncadd.s32 $0xFFFFFFFF  }
0xa5: {  	s26 =	simm.s32 $execute0_lowered;
	[smem:$0x3FD2] =	sst s25  }
0xa6: {  	s5 =	sshll.u32 s26, $0x1;
	_ =	strace $0x80000046;
	[dreg:$0x1] =	wrdreg $0xFFFFFFFF  }
0xa7: {  	s28 =	simm.s32 $_size_execute0_lowered;
	s3 =	sadd.s32 s3, s5;
	[dreg:$0x0] =	wrdreg $0x0  }
0xa8: {  	s5 =	sshll.u32 s28, $0x1;
	[dreg:$0x2] =	wrdreg s3  }
0xa9: {  	[dreg:$0x3] =	wrdreg s5  }
0xaa: {  	[dreg:$0x4] =	wrdreg $0xC0  }
0xab: {  	_ =	task [dreg:s7], $0x5FFFF  }
0xac: {  	[dreg:$0x1] =	wrdreg $0xFFFFFFFF  }
0xad: {  	[dreg:$0x0] =	wrdreg $0x60  }
0xae: {  	[dreg:$0x2] =	wrdreg s24  }
0xaf: {  	[dreg:$0x3] =	wrdreg s2  }
0xb0: {  	[dreg:$0x4] =	wrdreg $0x9  }
0xb1: {  	_ =	task.clear_ibuf [dreg:s7], $0x5FFFF;
	_ =	strace $0x90000046  }
0xb2: {  	s29 =	simm.s32 $0x9;
	_ =	strace $0x80000048  }
0xb3: {  	_ =	swait.ge [sflag:s29], $0x1  }
0xb4: {  	[sflag:s29] =	ssyncadd.s32 $0xFFFFFFFF  }
0xb5: {  	_ =	strace $0x90000048  }
0xb6: {  	_ =	sfence  }
0xb7: {  	s30 =	sld [smem:$0x0];
	_ =	sdelay $0x2  }
0xb8: {  	s31 =	sshll.u32 s1, $0xD;
	s1 =	sshrl.u32 s1, $0x2  }
0xb9: {  	s3 =	sand.u32 $0x4000, s31;
	s1 =	sadd.s32 s1, s30  }
0xba: {  	s0 =	sor.u32 s3, s0;
	s1 =	sshll.u32 s1, $0x11  }
0xbb: {  	s0 =	sor.u32 s1, s0  }
0xbc: {  	s0 =	sadd.s32 $0x8F2B, s0  }
0xbd: {  	[sflag:s0] =	ssyncadd.remote.s32 $0x1  }
0xbe: {  	_ =	sfence.sel $0xFFFF  }
0xbf: {  	[dreg:$0x0] =	wrdreg $0xFFFFFFFF;
	(pc) =	sbr.abs _section_cstart, $3  }
0xc0: {  	[dreg:$0x1] =	wrdreg $0xFFFFFFFF  }
0xc1: {  	_ =	task.clear_ibuf [dreg:s7], $0x2FFFF;
	_ =	strace $0x9FFFFFFF  }
0xc2: {  	(tm) =	ssettm $0x7FFFFFFF  }
0xc3: {  	_ =	shalt  }
tec
execute0_lowered:
.L_overlay_start_1:
0x0: {  	(tag) =	ssettag $0x1  }
0x1: {  	s1 =	srdreg.scid;
	s4 =	rddreg [dreg:$0x0]  }
0x2: {  	s0 =	stileid.u32;
	s8 =	rddreg [dreg:$0x1]  }
0x3: {  	s2 =	simm.s32 $0x0;
	s13 =	simm.s32 $0x5;
	s14 =	simm.s32 $0x6400  }
0x4: {  	s15 =	simm.s32 $0xB400;
	s16 =	simm.s32 $0x10400;
	s17 =	simm.s32 $0x15400  }
0x5: {  	s18 =	simm.s32 $0x1;
	s19 =	simm.s32 $0x2;
	s20 =	simm.s32 $0x3  }
0x6: {  	s3 =	sand.u32 $0x1, s1;
	s29 =	sshll.u32 s0, $0x1;
	s7 =	smul.u32 $0xC800, s0  }
0x7: {  	s21 =	simm.s32 $0x4;
	s5 =	sor.u32 s3, s29;
	s10 =	smul.u32 $0x6400, s3  }
0x8: {  	s22 =	simm.s32 $0x0;
	s9 =	ssub.s32 $0x2, s3;
	s6 =	smul.u32 $0x6400, s5  }
0x9: {  	[smem:$0x7FF] =	sst s2;
	s5 =	smul.u32 $0x64000, s5;
	s30 =	sshrl.u32 s9, $0x1  }
0xa: {  	v0 =	vlaneseq.u32;
	s1 =	rddreg [dreg:$0x2];
	_ =	strace $0x80000047;
	s9 =	ssub.s32 s9, s30  }
0xb: {  	v0 =	vmul.u32 $0x80, v0;
	s31 =	sadd.s32 s10, s7;
	s6 =	sshrl.u32 s6, $0x3;
	s3 =	sadd.s32 s8, s5  }
0xc: {  	v1 =	vimm.f32 $0.0e+00;
	v2 =	vimm.f32 $1.000000000e+00;
	s10 =	sshll.u32 s31, $0x4;
	s4 =	sadd.s32 s6, s4;
	s5 =	sadd.s32 $0xA00, s3  }
0xd: {  	v3 =	vor.u32 $0x800, v0;
	v4 =	vor.u32 $0x1000, v0;
	v5 =	vor.u32 $0x1800, v0;
	s6 =	sadd.s32 $0x1400, s3;
	s7 =	sadd.s32 $0x1E00, s3;
	s12 =	sadd.s32 s10, s8  }
0xe: {  	v6 =	vor.u32 $0x2000, v0;
	v7 =	vor.u32 $0x2800, v0;
	v8 =	vor.u32 $0x3000, v0;
	s8 =	smax.u32 s9, $0x1;
	s4 =	sadd.s32 $0x400, s4;
	s9 =	sadd.s32 $0x2800, s12  }
0xf: {  	v9 =	vor.u32 $0x3800, v0;
	v10 =	vor.u32 $0x4000, v0;
	v11 =	vor.u32 $0x4800, v0;
	s10 =	sadd.s32 $0x4600, s12;
	s11 =	sadd.s32 $0x3C00, s12;
	s12 =	sadd.s32 $0x3200, s12  }
.LBB2_1:
0x10: {  	[tilespmem:s2], [sflag:$0x5] =	stream.linear.gather [hbm4b:s4+s2], $0x6400, $0x38;
	[tilespmem:$0x1A400] =	vst v63  }
0x11: {  	s23 =	simm.s32 $0x0;
	s24 =	simm.s32 $0x400  }
.LBB2_2:
0x12: {  	p0 =	sne.s32 s24, $0x13C00;
	[tilespmem:s23+$0x64F0] =	vst v1  }
0x13: {  	[tilespmem:s23+$0x6400] =	vst v1  }
0x14: {  	[tilespmem:s23+$0x6410] =	vst v1  }
0x15: {  	[tilespmem:s23+$0x6420] =	vst v1  }
0x16: {  	[tilespmem:s23+$0x6430] =	vst v1  }
0x17: {  	[tilespmem:s23+$0x6440] =	vst v1  }
0x18: {  	[tilespmem:s23+$0x6450] =	vst v1  }
0x19: {  	[tilespmem:s23+$0x6460] =	vst v1  }
0x1a: {  	[tilespmem:s23+$0x6470] =	vst v1  }
0x1b: {  	[tilespmem:s23+$0x6480] =	vst v1  }
0x1c: {  	[tilespmem:s23+$0x6490] =	vst v1  }
.Ltmp0:
0x1d: {  	[tilespmem:s23+$0x64A0] =	vst v1;
	(pc) =	sbr.rel @p0 .LBB2_2-.Ltmp0, $4  }
0x1e: {  	[tilespmem:s23+$0x64B0] =	vst v1  }
0x1f: {  	[tilespmem:s23+$0x64C0] =	vst v1  }
0x20: {  	[tilespmem:s23+$0x64D0] =	vst v1  }
0x21: {  	[tilespmem:s23+$0x64E0] =	vst v1;
	s23 =	sshra.s32 s24, $0x2;
	s24 =	sadd.s32 $0x400, s24  }
0x22: {  	[tilespmem:s23+$0x64F0] =	vst v1  }
0x23: {  	[tilespmem:s23+$0x6400] =	vst v1  }
0x24: {  	[tilespmem:s23+$0x6410] =	vst v1  }
0x25: {  	[tilespmem:s23+$0x6420] =	vst v1  }
0x26: {  	[tilespmem:s23+$0x6430] =	vst v1  }
0x27: {  	[tilespmem:s23+$0x6440] =	vst v1  }
0x28: {  	[tilespmem:s23+$0x6450] =	vst v1  }
0x29: {  	[tilespmem:s23+$0x6460] =	vst v1  }
0x2a: {  	[tilespmem:s23+$0x6470] =	vst v1  }
0x2b: {  	[tilespmem:s23+$0x6480] =	vst v1  }
0x2c: {  	[tilespmem:s23+$0x6490] =	vst v1  }
0x2d: {  	[tilespmem:s23+$0x64A0] =	vst v1  }
0x2e: {  	[tilespmem:s23+$0x64B0] =	vst v1  }
0x2f: {  	[tilespmem:s23+$0x64C0] =	vst v1  }
0x30: {  	[tilespmem:s23+$0x64D0] =	vst v1  }
0x31: {  	[tilespmem:s23+$0x64E0] =	vst v1  }
0x32: {  	_ =	swait.ge [sflag:s13], $0x6400  }
0x33: {  	[sflag:s13] =	ssyncset.done $0x0  }
0x34: {  	[sflag:s13] =	ssyncadd.s32 $0xFFFF9C00  }
0x35: {  	v12 =	vld [tilespmem:$0x0];
	_ =	sdelay $0x4  }
0x36: {  	v12 =	vadd.s32 v0, v12;
	_ =	sdelay $0x4  }
0x37: {  	[tilespmem:v12+s14+$0x0] =	vst.idx.msk $0xffff, v2  }
0x38: {  	v12 =	vld [tilespmem:$0x10];
	_ =	sdelay $0x4  }
0x39: {  	v12 =	vadd.s32 v3, v12;
	_ =	sdelay $0x4  }
0x3a: {  	[tilespmem:v12+s14+$0x0] =	vst.idx.msk $0xffff, v2  }
0x3b: {  	v12 =	vld [tilespmem:$0x20];
	_ =	sdelay $0x4  }
0x3c: {  	v12 =	vadd.s32 v4, v12;
	_ =	sdelay $0x4  }
0x3d: {  	[tilespmem:v12+s14+$0x0] =	vst.idx.msk $0xffff, v2  }
0x3e: {  	v12 =	vld [tilespmem:$0x30];
	_ =	sdelay $0x4  }
0x3f: {  	v12 =	vadd.s32 v5, v12;
	_ =	sdelay $0x4  }
0x40: {  	[tilespmem:v12+s14+$0x0] =	vst.idx.msk $0xffff, v2  }
0x41: {  	v12 =	vld [tilespmem:$0x40];
	_ =	sdelay $0x4  }
0x42: {  	v12 =	vadd.s32 v6, v12;
	_ =	sdelay $0x4  }
0x43: {  	[tilespmem:v12+s14+$0x0] =	vst.idx.msk $0xffff, v2  }
0x44: {  	v12 =	vld [tilespmem:$0x50];
	_ =	sdelay $0x4  }
0x45: {  	v12 =	vadd.s32 v7, v12;
	_ =	sdelay $0x4  }
0x46: {  	[tilespmem:v12+s14+$0x0] =	vst.idx.msk $0xffff, v2  }
0x47: {  	v12 =	vld [tilespmem:$0x60];
	_ =	sdelay $0x4  }
0x48: {  	v12 =	vadd.s32 v8, v12;
	_ =	sdelay $0x4  }
0x49: {  	[tilespmem:v12+s14+$0x0] =	vst.idx.msk $0xffff, v2  }
0x4a: {  	v12 =	vld [tilespmem:$0x70];
	_ =	sdelay $0x4  }
0x4b: {  	v12 =	vadd.s32 v9, v12;
	_ =	sdelay $0x4  }
0x4c: {  	[tilespmem:v12+s14+$0x0] =	vst.idx.msk $0xffff, v2  }
0x4d: {  	v12 =	vld [tilespmem:$0x80];
	_ =	sdelay $0x4  }
0x4e: {  	v12 =	vadd.s32 v10, v12;
	_ =	sdelay $0x4  }
0x4f: {  	[tilespmem:v12+s14+$0x0] =	vst.idx.msk $0xffff, v2  }
0x50: {  	v12 =	vld [tilespmem:$0x90];
	_ =	sdelay $0x4  }
0x51: {  	v12 =	vadd.s32 v11, v12;
	_ =	sdelay $0x4  }
0x52: {  	s31 =	simm.s32 $0x0;
	s23 =	simm.s32 $0x0;
	s24 =	simm.s32 $0x400;
	[tilespmem:v12+s14+$0x0] =	vst.idx.msk $0xffff, v2  }
0x53: {  	[hbm4b:s3+s31] =	stream.linear.scatter [tilespmem:s14], [sflag:$0x1], $0x5000, $0x38;
	[tilespmem:$0x1A400] =	vst v63  }
.LBB2_4:
0x54: {  	p0 =	sne.s32 s24, $0x13C00;
	[tilespmem:s23+$0xB4F0] =	vst v1  }
0x55: {  	[tilespmem:s23+$0xB400] =	vst v1  }
0x56: {  	[tilespmem:s23+$0xB410] =	vst v1  }
0x57: {  	[tilespmem:s23+$0xB420] =	vst v1  }
0x58: {  	[tilespmem:s23+$0xB430] =	vst v1  }
0x59: {  	[tilespmem:s23+$0xB440] =	vst v1  }
0x5a: {  	[tilespmem:s23+$0xB450] =	vst v1  }
0x5b: {  	[tilespmem:s23+$0xB460] =	vst v1  }
0x5c: {  	[tilespmem:s23+$0xB470] =	vst v1  }
0x5d: {  	[tilespmem:s23+$0xB480] =	vst v1  }
0x5e: {  	[tilespmem:s23+$0xB490] =	vst v1  }
.Ltmp1:
0x5f: {  	[tilespmem:s23+$0xB4A0] =	vst v1;
	(pc) =	sbr.rel @p0 .LBB2_4-.Ltmp1, $4  }
0x60: {  	[tilespmem:s23+$0xB4B0] =	vst v1  }
0x61: {  	[tilespmem:s23+$0xB4C0] =	vst v1  }
0x62: {  	[tilespmem:s23+$0xB4D0] =	vst v1  }
0x63: {  	[tilespmem:s23+$0xB4E0] =	vst v1;
	s23 =	sshra.s32 s24, $0x2;
	s24 =	sadd.s32 $0x400, s24  }
0x64: {  	[tilespmem:s23+$0xB4F0] =	vst v1  }
0x65: {  	[tilespmem:s23+$0xB400] =	vst v1  }
0x66: {  	[tilespmem:s23+$0xB410] =	vst v1  }
0x67: {  	[tilespmem:s23+$0xB420] =	vst v1  }
0x68: {  	[tilespmem:s23+$0xB430] =	vst v1  }
0x69: {  	[tilespmem:s23+$0xB440] =	vst v1  }
0x6a: {  	[tilespmem:s23+$0xB450] =	vst v1  }
0x6b: {  	[tilespmem:s23+$0xB460] =	vst v1  }
0x6c: {  	[tilespmem:s23+$0xB470] =	vst v1  }
0x6d: {  	[tilespmem:s23+$0xB480] =	vst v1  }
0x6e: {  	[tilespmem:s23+$0xB490] =	vst v1  }
0x6f: {  	[tilespmem:s23+$0xB4A0] =	vst v1  }
0x70: {  	[tilespmem:s23+$0xB4B0] =	vst v1  }
0x71: {  	[tilespmem:s23+$0xB4C0] =	vst v1  }
0x72: {  	[tilespmem:s23+$0xB4D0] =	vst v1  }
0x73: {  	[tilespmem:s23+$0xB4E0] =	vst v1  }
0x74: {  	v12 =	vld [tilespmem:$0xA0];
	_ =	sdelay $0x4  }
0x75: {  	v12 =	vadd.s32 v0, v12;
	_ =	sdelay $0x4  }
0x76: {  	[tilespmem:v12+s15+$0x0] =	vst.idx.msk $0xffff, v2  }
0x77: {  	v12 =	vld [tilespmem:$0xB0];
	_ =	sdelay $0x4  }
0x78: {  	v12 =	vadd.s32 v3, v12;
	_ =	sdelay $0x4  }
0x79: {  	[tilespmem:v12+s15+$0x0] =	vst.idx.msk $0xffff, v2  }
0x7a: {  	v12 =	vld [tilespmem:$0xC0];
	_ =	sdelay $0x4  }
0x7b: {  	v12 =	vadd.s32 v4, v12;
	_ =	sdelay $0x4  }
0x7c: {  	[tilespmem:v12+s15+$0x0] =	vst.idx.msk $0xffff, v2  }
0x7d: {  	v12 =	vld [tilespmem:$0xD0];
	_ =	sdelay $0x4  }
0x7e: {  	v12 =	vadd.s32 v5, v12;
	_ =	sdelay $0x4  }
0x7f: {  	[tilespmem:v12+s15+$0x0] =	vst.idx.msk $0xffff, v2  }
0x80: {  	v12 =	vld [tilespmem:$0xE0];
	_ =	sdelay $0x4  }
0x81: {  	v12 =	vadd.s32 v6, v12;
	_ =	sdelay $0x4  }
0x82: {  	[tilespmem:v12+s15+$0x0] =	vst.idx.msk $0xffff, v2  }
0x83: {  	v12 =	vld [tilespmem:$0xF0];
	_ =	sdelay $0x4  }
0x84: {  	v12 =	vadd.s32 v7, v12;
	_ =	sdelay $0x4  }
0x85: {  	[tilespmem:v12+s15+$0x0] =	vst.idx.msk $0xffff, v2  }
0x86: {  	v12 =	vld [tilespmem:$0x100];
	_ =	sdelay $0x4  }
0x87: {  	v12 =	vadd.s32 v8, v12;
	_ =	sdelay $0x4  }
0x88: {  	[tilespmem:v12+s15+$0x0] =	vst.idx.msk $0xffff, v2  }
0x89: {  	v12 =	vld [tilespmem:$0x110];
	_ =	sdelay $0x4  }
0x8a: {  	v12 =	vadd.s32 v9, v12;
	_ =	sdelay $0x4  }
0x8b: {  	[tilespmem:v12+s15+$0x0] =	vst.idx.msk $0xffff, v2  }
0x8c: {  	v12 =	vld [tilespmem:$0x120];
	_ =	sdelay $0x4  }
0x8d: {  	v12 =	vadd.s32 v10, v12;
	_ =	sdelay $0x4  }
0x8e: {  	[tilespmem:v12+s15+$0x0] =	vst.idx.msk $0xffff, v2  }
0x8f: {  	v12 =	vld [tilespmem:$0x130];
	_ =	sdelay $0x4  }
0x90: {  	v12 =	vadd.s32 v11, v12;
	_ =	sdelay $0x4  }
0x91: {  	s31 =	simm.s32 $0x0;
	s23 =	simm.s32 $0x0;
	s24 =	simm.s32 $0x400;
	[tilespmem:v12+s15+$0x0] =	vst.idx.msk $0xffff, v2  }
0x92: {  	[hbm4b:s5+s31] =	stream.linear.scatter [tilespmem:s15], [sflag:$0x2], $0x5000, $0x38;
	[tilespmem:$0x1A400] =	vst v63  }
.LBB2_6:
0x93: {  	p0 =	sne.s32 s24, $0x13C00;
	[tilespmem:s23+$0x104F0] =	vst v1  }
0x94: {  	[tilespmem:s23+$0x10400] =	vst v1  }
0x95: {  	[tilespmem:s23+$0x10410] =	vst v1  }
0x96: {  	[tilespmem:s23+$0x10420] =	vst v1  }
0x97: {  	[tilespmem:s23+$0x10430] =	vst v1  }
0x98: {  	[tilespmem:s23+$0x10440] =	vst v1  }
0x99: {  	[tilespmem:s23+$0x10450] =	vst v1  }
0x9a: {  	[tilespmem:s23+$0x10460] =	vst v1  }
0x9b: {  	[tilespmem:s23+$0x10470] =	vst v1  }
0x9c: {  	[tilespmem:s23+$0x10480] =	vst v1  }
0x9d: {  	[tilespmem:s23+$0x10490] =	vst v1  }
.Ltmp2:
0x9e: {  	[tilespmem:s23+$0x104A0] =	vst v1;
	(pc) =	sbr.rel @p0 .LBB2_6-.Ltmp2, $4  }
0x9f: {  	[tilespmem:s23+$0x104B0] =	vst v1  }
0xa0: {  	[tilespmem:s23+$0x104C0] =	vst v1  }
0xa1: {  	[tilespmem:s23+$0x104D0] =	vst v1  }
0xa2: {  	[tilespmem:s23+$0x104E0] =	vst v1;
	s23 =	sshra.s32 s24, $0x2;
	s24 =	sadd.s32 $0x400, s24  }
0xa3: {  	[tilespmem:s23+$0x104F0] =	vst v1  }
0xa4: {  	[tilespmem:s23+$0x10400] =	vst v1  }
0xa5: {  	[tilespmem:s23+$0x10410] =	vst v1  }
0xa6: {  	[tilespmem:s23+$0x10420] =	vst v1  }
0xa7: {  	[tilespmem:s23+$0x10430] =	vst v1  }
0xa8: {  	[tilespmem:s23+$0x10440] =	vst v1  }
0xa9: {  	[tilespmem:s23+$0x10450] =	vst v1  }
0xaa: {  	[tilespmem:s23+$0x10460] =	vst v1  }
0xab: {  	[tilespmem:s23+$0x10470] =	vst v1  }
0xac: {  	[tilespmem:s23+$0x10480] =	vst v1  }
0xad: {  	[tilespmem:s23+$0x10490] =	vst v1  }
0xae: {  	[tilespmem:s23+$0x104A0] =	vst v1  }
0xaf: {  	[tilespmem:s23+$0x104B0] =	vst v1  }
0xb0: {  	[tilespmem:s23+$0x104C0] =	vst v1  }
0xb1: {  	[tilespmem:s23+$0x104D0] =	vst v1  }
0xb2: {  	[tilespmem:s23+$0x104E0] =	vst v1  }
0xb3: {  	v12 =	vld [tilespmem:$0x140];
	_ =	sdelay $0x4  }
0xb4: {  	v12 =	vadd.s32 v0, v12;
	_ =	sdelay $0x4  }
0xb5: {  	[tilespmem:v12+s16+$0x0] =	vst.idx.msk $0xffff, v2  }
0xb6: {  	v12 =	vld [tilespmem:$0x150];
	_ =	sdelay $0x4  }
0xb7: {  	v12 =	vadd.s32 v3, v12;
	_ =	sdelay $0x4  }
0xb8: {  	[tilespmem:v12+s16+$0x0] =	vst.idx.msk $0xffff, v2  }
0xb9: {  	v12 =	vld [tilespmem:$0x160];
	_ =	sdelay $0x4  }
0xba: {  	v12 =	vadd.s32 v4, v12;
	_ =	sdelay $0x4  }
0xbb: {  	[tilespmem:v12+s16+$0x0] =	vst.idx.msk $0xffff, v2  }
0xbc: {  	v12 =	vld [tilespmem:$0x170];
	_ =	sdelay $0x4  }
0xbd: {  	v12 =	vadd.s32 v5, v12;
	_ =	sdelay $0x4  }
0xbe: {  	[tilespmem:v12+s16+$0x0] =	vst.idx.msk $0xffff, v2  }
0xbf: {  	v12 =	vld [tilespmem:$0x180];
	_ =	sdelay $0x4  }
0xc0: {  	v12 =	vadd.s32 v6, v12;
	_ =	sdelay $0x4  }
0xc1: {  	[tilespmem:v12+s16+$0x0] =	vst.idx.msk $0xffff, v2  }
0xc2: {  	v12 =	vld [tilespmem:$0x190];
	_ =	sdelay $0x4  }
0xc3: {  	v12 =	vadd.s32 v7, v12;
	_ =	sdelay $0x4  }
0xc4: {  	[tilespmem:v12+s16+$0x0] =	vst.idx.msk $0xffff, v2  }
0xc5: {  	v12 =	vld [tilespmem:$0x1A0];
	_ =	sdelay $0x4  }
0xc6: {  	v12 =	vadd.s32 v8, v12;
	_ =	sdelay $0x4  }
0xc7: {  	[tilespmem:v12+s16+$0x0] =	vst.idx.msk $0xffff, v2  }
0xc8: {  	v12 =	vld [tilespmem:$0x1B0];
	_ =	sdelay $0x4  }
0xc9: {  	v12 =	vadd.s32 v9, v12;
	_ =	sdelay $0x4  }
0xca: {  	[tilespmem:v12+s16+$0x0] =	vst.idx.msk $0xffff, v2  }
0xcb: {  	v12 =	vld [tilespmem:$0x1C0];
	_ =	sdelay $0x4  }
0xcc: {  	v12 =	vadd.s32 v10, v12;
	_ =	sdelay $0x4  }
0xcd: {  	[tilespmem:v12+s16+$0x0] =	vst.idx.msk $0xffff, v2  }
0xce: {  	v12 =	vld [tilespmem:$0x1D0];
	_ =	sdelay $0x4  }
0xcf: {  	v12 =	vadd.s32 v11, v12;
	_ =	sdelay $0x4  }
0xd0: {  	s31 =	simm.s32 $0x0;
	s23 =	simm.s32 $0x0;
	s24 =	simm.s32 $0x400;
	[tilespmem:v12+s16+$0x0] =	vst.idx.msk $0xffff, v2  }
0xd1: {  	[hbm4b:s6+s31] =	stream.linear.scatter [tilespmem:s16], [sflag:$0x3], $0x5000, $0x38;
	[tilespmem:$0x1A400] =	vst v63  }
.LBB2_8:
0xd2: {  	p0 =	sne.s32 s24, $0x13C00;
	[tilespmem:s23+$0x154F0] =	vst v1  }
0xd3: {  	[tilespmem:s23+$0x15400] =	vst v1  }
0xd4: {  	[tilespmem:s23+$0x15410] =	vst v1  }
0xd5: {  	[tilespmem:s23+$0x15420] =	vst v1  }
0xd6: {  	[tilespmem:s23+$0x15430] =	vst v1  }
0xd7: {  	[tilespmem:s23+$0x15440] =	vst v1  }
0xd8: {  	[tilespmem:s23+$0x15450] =	vst v1  }
0xd9: {  	[tilespmem:s23+$0x15460] =	vst v1  }
0xda: {  	[tilespmem:s23+$0x15470] =	vst v1  }
0xdb: {  	[tilespmem:s23+$0x15480] =	vst v1  }
0xdc: {  	[tilespmem:s23+$0x15490] =	vst v1  }
.Ltmp3:
0xdd: {  	[tilespmem:s23+$0x154A0] =	vst v1;
	(pc) =	sbr.rel @p0 .LBB2_8-.Ltmp3, $4  }
0xde: {  	[tilespmem:s23+$0x154B0] =	vst v1  }
0xdf: {  	[tilespmem:s23+$0x154C0] =	vst v1  }
0xe0: {  	[tilespmem:s23+$0x154D0] =	vst v1  }
0xe1: {  	[tilespmem:s23+$0x154E0] =	vst v1;
	s23 =	sshra.s32 s24, $0x2;
	s24 =	sadd.s32 $0x400, s24  }
0xe2: {  	[tilespmem:s23+$0x154F0] =	vst v1  }
0xe3: {  	[tilespmem:s23+$0x15400] =	vst v1  }
0xe4: {  	[tilespmem:s23+$0x15410] =	vst v1  }
0xe5: {  	[tilespmem:s23+$0x15420] =	vst v1  }
0xe6: {  	[tilespmem:s23+$0x15430] =	vst v1  }
0xe7: {  	[tilespmem:s23+$0x15440] =	vst v1  }
0xe8: {  	[tilespmem:s23+$0x15450] =	vst v1  }
0xe9: {  	[tilespmem:s23+$0x15460] =	vst v1  }
0xea: {  	[tilespmem:s23+$0x15470] =	vst v1  }
0xeb: {  	[tilespmem:s23+$0x15480] =	vst v1  }
0xec: {  	[tilespmem:s23+$0x15490] =	vst v1  }
0xed: {  	[tilespmem:s23+$0x154A0] =	vst v1  }
0xee: {  	[tilespmem:s23+$0x154B0] =	vst v1  }
0xef: {  	[tilespmem:s23+$0x154C0] =	vst v1  }
0xf0: {  	[tilespmem:s23+$0x154D0] =	vst v1  }
0xf1: {  	[tilespmem:s23+$0x154E0] =	vst v1  }
0xf2: {  	v12 =	vld [tilespmem:$0x1E0];
	_ =	sdelay $0x4  }
0xf3: {  	v12 =	vadd.s32 v0, v12;
	_ =	sdelay $0x4  }
0xf4: {  	[tilespmem:v12+s17+$0x0] =	vst.idx.msk $0xffff, v2  }
0xf5: {  	v12 =	vld [tilespmem:$0x1F0];
	_ =	sdelay $0x4  }
0xf6: {  	v12 =	vadd.s32 v3, v12;
	_ =	sdelay $0x4  }
0xf7: {  	[tilespmem:v12+s17+$0x0] =	vst.idx.msk $0xffff, v2  }
0xf8: {  	v12 =	vld [tilespmem:$0x200];
	_ =	sdelay $0x4  }
0xf9: {  	v12 =	vadd.s32 v4, v12;
	_ =	sdelay $0x4  }
0xfa: {  	[tilespmem:v12+s17+$0x0] =	vst.idx.msk $0xffff, v2  }
0xfb: {  	v12 =	vld [tilespmem:$0x210];
	_ =	sdelay $0x4  }
0xfc: {  	v12 =	vadd.s32 v5, v12;
	_ =	sdelay $0x4  }
0xfd: {  	[tilespmem:v12+s17+$0x0] =	vst.idx.msk $0xffff, v2  }
0xfe: {  	v12 =	vld [tilespmem:$0x220];
	_ =	sdelay $0x4  }
0xff: {  	v12 =	vadd.s32 v6, v12;
	_ =	sdelay $0x4  }
0x100: {  	[tilespmem:v12+s17+$0x0] =	vst.idx.msk $0xffff, v2  }
0x101: {  	v12 =	vld [tilespmem:$0x230];
	_ =	sdelay $0x4  }
0x102: {  	v12 =	vadd.s32 v7, v12;
	_ =	sdelay $0x4  }
0x103: {  	[tilespmem:v12+s17+$0x0] =	vst.idx.msk $0xffff, v2  }
0x104: {  	v12 =	vld [tilespmem:$0x240];
	_ =	sdelay $0x4  }
0x105: {  	v12 =	vadd.s32 v8, v12;
	_ =	sdelay $0x4  }
0x106: {  	[tilespmem:v12+s17+$0x0] =	vst.idx.msk $0xffff, v2  }
0x107: {  	v12 =	vld [tilespmem:$0x250];
	_ =	sdelay $0x4  }
0x108: {  	v12 =	vadd.s32 v9, v12;
	_ =	sdelay $0x4  }
0x109: {  	[tilespmem:v12+s17+$0x0] =	vst.idx.msk $0xffff, v2  }
0x10a: {  	v12 =	vld [tilespmem:$0x260];
	_ =	sdelay $0x4  }
0x10b: {  	v12 =	vadd.s32 v10, v12;
	_ =	sdelay $0x4  }
0x10c: {  	[tilespmem:v12+s17+$0x0] =	vst.idx.msk $0xffff, v2  }
0x10d: {  	v12 =	vld [tilespmem:$0x270];
	_ =	sdelay $0x4  }
0x10e: {  	v12 =	vadd.s32 v11, v12;
	_ =	sdelay $0x4  }
0x10f: {  	s23 =	simm.s32 $0x0;
	s24 =	simm.s32 $0x280;
	[tilespmem:v12+s17+$0x0] =	vst.idx.msk $0xffff, v2  }
0x110: {  	[hbm4b:s7+s23] =	stream.linear.scatter [tilespmem:s17], [sflag:$0x4], $0x5000, $0x38;
	[tilespmem:$0x1A400] =	vst v63  }
.LBB2_10:
0x111: {  	_ =	swait.ge [sflag:s18], $0x5000  }
0x112: {  	[sflag:s18] =	ssyncset.done $0x0  }
0x113: {  	[sflag:s18] =	ssyncadd.s32 $0xFFFFB000  }
0x114: {  	v12 =	vld [tilespmem:s24+$0xFFFFFD80];
	_ =	sdelay $0x4  }
0x115: {  	v12 =	vadd.s32 v0, v12;
	_ =	sdelay $0x4  }
0x116: {  	[tilespmem:v12+s14+$0x0] =	vst.idx.msk $0xffff, v1  }
0x117: {  	v12 =	vld [tilespmem:s24+$0xFFFFFD90];
	_ =	sdelay $0x4  }
0x118: {  	v12 =	vadd.s32 v3, v12;
	_ =	sdelay $0x4  }
0x119: {  	[tilespmem:v12+s14+$0x0] =	vst.idx.msk $0xffff, v1  }
0x11a: {  	v12 =	vld [tilespmem:s24+$0xFFFFFDA0];
	_ =	sdelay $0x4  }
0x11b: {  	v12 =	vadd.s32 v4, v12;
	_ =	sdelay $0x4  }
0x11c: {  	[tilespmem:v12+s14+$0x0] =	vst.idx.msk $0xffff, v1  }
0x11d: {  	v12 =	vld [tilespmem:s24+$0xFFFFFDB0];
	_ =	sdelay $0x4  }
0x11e: {  	v12 =	vadd.s32 v5, v12;
	_ =	sdelay $0x4  }
0x11f: {  	[tilespmem:v12+s14+$0x0] =	vst.idx.msk $0xffff, v1  }
0x120: {  	v12 =	vld [tilespmem:s24+$0xFFFFFDC0];
	_ =	sdelay $0x4  }
0x121: {  	v12 =	vadd.s32 v6, v12;
	_ =	sdelay $0x4  }
0x122: {  	[tilespmem:v12+s14+$0x0] =	vst.idx.msk $0xffff, v1  }
0x123: {  	v12 =	vld [tilespmem:s24+$0xFFFFFDD0];
	_ =	sdelay $0x4  }
0x124: {  	v12 =	vadd.s32 v7, v12;
	_ =	sdelay $0x4  }
0x125: {  	[tilespmem:v12+s14+$0x0] =	vst.idx.msk $0xffff, v1  }
0x126: {  	v12 =	vld [tilespmem:s24+$0xFFFFFDE0];
	_ =	sdelay $0x4  }
0x127: {  	v12 =	vadd.s32 v8, v12;
	_ =	sdelay $0x4  }
0x128: {  	[tilespmem:v12+s14+$0x0] =	vst.idx.msk $0xffff, v1  }
0x129: {  	v12 =	vld [tilespmem:s24+$0xFFFFFDF0];
	_ =	sdelay $0x4  }
0x12a: {  	v12 =	vadd.s32 v9, v12;
	_ =	sdelay $0x4  }
0x12b: {  	[tilespmem:v12+s14+$0x0] =	vst.idx.msk $0xffff, v1  }
0x12c: {  	v12 =	vld [tilespmem:s24+$0xFFFFFE00];
	_ =	sdelay $0x4  }
0x12d: {  	v12 =	vadd.s32 v10, v12;
	_ =	sdelay $0x4  }
0x12e: {  	[tilespmem:v12+s14+$0x0] =	vst.idx.msk $0xffff, v1  }
0x12f: {  	v12 =	vld [tilespmem:s24+$0xFFFFFE10];
	_ =	sdelay $0x4  }
0x130: {  	v12 =	vadd.s32 v11, v12;
	_ =	sdelay $0x4  }
0x131: {  	[tilespmem:v12+s14+$0x0] =	vst.idx.msk $0xffff, v1  }
0x132: {  	v12 =	vld [tilespmem:s24+$0x0];
	_ =	sdelay $0x4  }
0x133: {  	v12 =	vadd.s32 v0, v12;
	_ =	sdelay $0x4  }
0x134: {  	[tilespmem:v12+s14+$0x0] =	vst.idx.msk $0xffff, v2  }
0x135: {  	v12 =	vld [tilespmem:s24+$0x10];
	_ =	sdelay $0x4  }
0x136: {  	v12 =	vadd.s32 v3, v12;
	_ =	sdelay $0x4  }
0x137: {  	[tilespmem:v12+s14+$0x0] =	vst.idx.msk $0xffff, v2  }
0x138: {  	v12 =	vld [tilespmem:s24+$0x20];
	_ =	sdelay $0x4  }
0x139: {  	v12 =	vadd.s32 v4, v12;
	_ =	sdelay $0x4  }
0x13a: {  	[tilespmem:v12+s14+$0x0] =	vst.idx.msk $0xffff, v2  }
0x13b: {  	v12 =	vld [tilespmem:s24+$0x30];
	_ =	sdelay $0x4  }
0x13c: {  	v12 =	vadd.s32 v5, v12;
	_ =	sdelay $0x4  }
0x13d: {  	[tilespmem:v12+s14+$0x0] =	vst.idx.msk $0xffff, v2  }
0x13e: {  	v12 =	vld [tilespmem:s24+$0x40];
	_ =	sdelay $0x4  }
0x13f: {  	v12 =	vadd.s32 v6, v12;
	_ =	sdelay $0x4  }
0x140: {  	[tilespmem:v12+s14+$0x0] =	vst.idx.msk $0xffff, v2  }
0x141: {  	v12 =	vld [tilespmem:s24+$0x50];
	_ =	sdelay $0x4  }
0x142: {  	v12 =	vadd.s32 v7, v12;
	_ =	sdelay $0x4  }
0x143: {  	[tilespmem:v12+s14+$0x0] =	vst.idx.msk $0xffff, v2  }
0x144: {  	v12 =	vld [tilespmem:s24+$0x60];
	_ =	sdelay $0x4  }
0x145: {  	v12 =	vadd.s32 v8, v12;
	_ =	sdelay $0x4  }
0x146: {  	[tilespmem:v12+s14+$0x0] =	vst.idx.msk $0xffff, v2  }
0x147: {  	v12 =	vld [tilespmem:s24+$0x70];
	_ =	sdelay $0x4  }
0x148: {  	v12 =	vadd.s32 v9, v12;
	_ =	sdelay $0x4  }
0x149: {  	[tilespmem:v12+s14+$0x0] =	vst.idx.msk $0xffff, v2  }
0x14a: {  	v12 =	vld [tilespmem:s24+$0x80];
	_ =	sdelay $0x4  }
0x14b: {  	v12 =	vadd.s32 v10, v12;
	_ =	sdelay $0x4  }
0x14c: {  	[tilespmem:v12+s14+$0x0] =	vst.idx.msk $0xffff, v2  }
0x14d: {  	v12 =	vld [tilespmem:s24+$0x90];
	_ =	sdelay $0x4  }
0x14e: {  	v12 =	vadd.s32 v11, v12;
	_ =	sdelay $0x4  }
0x14f: {  	s25 =	sadd.s32 s23, s9;
	[tilespmem:v12+s14+$0x0] =	vst.idx.msk $0xffff, v2  }
0x150: {  	[hbm4b:s25+s2] =	stream.linear.scatter [tilespmem:s14], [sflag:$0x1], $0x5000, $0x38;
	[tilespmem:$0x1A400] =	vst v63  }
0x151: {  	_ =	swait.ge [sflag:s19], $0x5000  }
0x152: {  	[sflag:s19] =	ssyncset.done $0x0  }
0x153: {  	[sflag:s19] =	ssyncadd.s32 $0xFFFFB000  }
0x154: {  	v61 =	vld [tilespmem:s24+$0xFFFFFE20];
	_ =	sdelay $0x4  }
0x155: {  	v12 =	vadd.s32 v0, v61;
	_ =	sdelay $0x4  }
0x156: {  	[tilespmem:v12+s15+$0x0] =	vst.idx.msk $0xffff, v1  }
0x157: {  	v12 =	vld [tilespmem:s24+$0xFFFFFE30];
	_ =	sdelay $0x4  }
0x158: {  	v12 =	vadd.s32 v3, v12;
	_ =	sdelay $0x4  }
0x159: {  	[tilespmem:v12+s15+$0x0] =	vst.idx.msk $0xffff, v1  }
0x15a: {  	v12 =	vld [tilespmem:s24+$0xFFFFFE40];
	_ =	sdelay $0x4  }
0x15b: {  	v12 =	vadd.s32 v4, v12;
	_ =	sdelay $0x4  }
0x15c: {  	[tilespmem:v12+s15+$0x0] =	vst.idx.msk $0xffff, v1  }
0x15d: {  	v12 =	vld [tilespmem:s24+$0xFFFFFE50];
	_ =	sdelay $0x4  }
0x15e: {  	v12 =	vadd.s32 v5, v12;
	_ =	sdelay $0x4  }
0x15f: {  	[tilespmem:v12+s15+$0x0] =	vst.idx.msk $0xffff, v1  }
0x160: {  	v12 =	vld [tilespmem:s24+$0xFFFFFE60];
	_ =	sdelay $0x4  }
0x161: {  	v12 =	vadd.s32 v6, v12;
	_ =	sdelay $0x4  }
0x162: {  	[tilespmem:v12+s15+$0x0] =	vst.idx.msk $0xffff, v1  }
0x163: {  	v12 =	vld [tilespmem:s24+$0xFFFFFE70];
	_ =	sdelay $0x4  }
0x164: {  	v12 =	vadd.s32 v7, v12;
	_ =	sdelay $0x4  }
0x165: {  	[tilespmem:v12+s15+$0x0] =	vst.idx.msk $0xffff, v1  }
0x166: {  	v12 =	vld [tilespmem:s24+$0xFFFFFE80];
	_ =	sdelay $0x4  }
0x167: {  	v12 =	vadd.s32 v8, v12;
	_ =	sdelay $0x4  }
0x168: {  	[tilespmem:v12+s15+$0x0] =	vst.idx.msk $0xffff, v1  }
0x169: {  	v12 =	vld [tilespmem:s24+$0xFFFFFE90];
	_ =	sdelay $0x4  }
0x16a: {  	v12 =	vadd.s32 v9, v12;
	_ =	sdelay $0x4  }
0x16b: {  	[tilespmem:v12+s15+$0x0] =	vst.idx.msk $0xffff, v1  }
0x16c: {  	v12 =	vld [tilespmem:s24+$0xFFFFFEA0];
	_ =	sdelay $0x4  }
0x16d: {  	v12 =	vadd.s32 v10, v12;
	_ =	sdelay $0x4  }
0x16e: {  	[tilespmem:v12+s15+$0x0] =	vst.idx.msk $0xffff, v1  }
0x16f: {  	v12 =	vld [tilespmem:s24+$0xFFFFFEB0];
	_ =	sdelay $0x4  }
0x170: {  	v12 =	vadd.s32 v11, v12;
	_ =	sdelay $0x4  }
0x171: {  	[tilespmem:v12+s15+$0x0] =	vst.idx.msk $0xffff, v1  }
0x172: {  	v12 =	vld [tilespmem:s24+$0xA0];
	_ =	sdelay $0x4  }
0x173: {  	v12 =	vadd.s32 v0, v12;
	_ =	sdelay $0x4  }
0x174: {  	[tilespmem:v12+s15+$0x0] =	vst.idx.msk $0xffff, v2  }
0x175: {  	v12 =	vld [tilespmem:s24+$0xB0];
	_ =	sdelay $0x4  }
0x176: {  	v12 =	vadd.s32 v3, v12;
	_ =	sdelay $0x4  }
0x177: {  	[tilespmem:v12+s15+$0x0] =	vst.idx.msk $0xffff, v2  }
0x178: {  	v12 =	vld [tilespmem:s24+$0xC0];
	_ =	sdelay $0x4  }
0x179: {  	v12 =	vadd.s32 v4, v12;
	_ =	sdelay $0x4  }
0x17a: {  	[tilespmem:v12+s15+$0x0] =	vst.idx.msk $0xffff, v2  }
0x17b: {  	v12 =	vld [tilespmem:s24+$0xD0];
	_ =	sdelay $0x4  }
0x17c: {  	v12 =	vadd.s32 v5, v12;
	_ =	sdelay $0x4  }
0x17d: {  	[tilespmem:v12+s15+$0x0] =	vst.idx.msk $0xffff, v2  }
0x17e: {  	v12 =	vld [tilespmem:s24+$0xE0];
	_ =	sdelay $0x4  }
0x17f: {  	v12 =	vadd.s32 v6, v12;
	_ =	sdelay $0x4  }
0x180: {  	[tilespmem:v12+s15+$0x0] =	vst.idx.msk $0xffff, v2  }
0x181: {  	v12 =	vld [tilespmem:s24+$0xF0];
	_ =	sdelay $0x4  }
0x182: {  	v12 =	vadd.s32 v7, v12;
	_ =	sdelay $0x4  }
0x183: {  	[tilespmem:v12+s15+$0x0] =	vst.idx.msk $0xffff, v2  }
0x184: {  	v12 =	vld [tilespmem:s24+$0x100];
	_ =	sdelay $0x4  }
0x185: {  	v12 =	vadd.s32 v8, v12;
	_ =	sdelay $0x4  }
0x186: {  	[tilespmem:v12+s15+$0x0] =	vst.idx.msk $0xffff, v2  }
0x187: {  	v12 =	vld [tilespmem:s24+$0x110];
	_ =	sdelay $0x4  }
0x188: {  	v12 =	vadd.s32 v9, v12;
	_ =	sdelay $0x4  }
0x189: {  	[tilespmem:v12+s15+$0x0] =	vst.idx.msk $0xffff, v2  }
0x18a: {  	v12 =	vld [tilespmem:s24+$0x120];
	_ =	sdelay $0x4  }
0x18b: {  	v12 =	vadd.s32 v10, v12;
	_ =	sdelay $0x4  }
0x18c: {  	[tilespmem:v12+s15+$0x0] =	vst.idx.msk $0xffff, v2  }
0x18d: {  	v12 =	vld [tilespmem:s24+$0x130];
	_ =	sdelay $0x4  }
0x18e: {  	v12 =	vadd.s32 v11, v12;
	_ =	sdelay $0x4  }
0x18f: {  	s29 =	sadd.s32 s23, s12;
	[tilespmem:v12+s15+$0x0] =	vst.idx.msk $0xffff, v2  }
0x190: {  	[hbm4b:s29+s2] =	stream.linear.scatter [tilespmem:s15], [sflag:$0x2], $0x5000, $0x38;
	[tilespmem:$0x1A400] =	vst v63  }
0x191: {  	_ =	swait.ge [sflag:s20], $0x5000  }
0x192: {  	[sflag:s20] =	ssyncset.done $0x0  }
0x193: {  	[sflag:s20] =	ssyncadd.s32 $0xFFFFB000  }
0x194: {  	v62 =	vld [tilespmem:s24+$0xFFFFFEC0];
	_ =	sdelay $0x4  }
0x195: {  	v12 =	vadd.s32 v0, v62;
	_ =	sdelay $0x4  }
0x196: {  	[tilespmem:v12+s16+$0x0] =	vst.idx.msk $0xffff, v1  }
0x197: {  	v12 =	vld [tilespmem:s24+$0xFFFFFED0];
	_ =	sdelay $0x4  }
0x198: {  	v12 =	vadd.s32 v3, v12;
	_ =	sdelay $0x4  }
0x199: {  	[tilespmem:v12+s16+$0x0] =	vst.idx.msk $0xffff, v1  }
0x19a: {  	v12 =	vld [tilespmem:s24+$0xFFFFFEE0];
	_ =	sdelay $0x4  }
0x19b: {  	v12 =	vadd.s32 v4, v12;
	_ =	sdelay $0x4  }
0x19c: {  	[tilespmem:v12+s16+$0x0] =	vst.idx.msk $0xffff, v1  }
0x19d: {  	v12 =	vld [tilespmem:s24+$0xFFFFFEF0];
	_ =	sdelay $0x4  }
0x19e: {  	v12 =	vadd.s32 v5, v12;
	_ =	sdelay $0x4  }
0x19f: {  	[tilespmem:v12+s16+$0x0] =	vst.idx.msk $0xffff, v1  }
0x1a0: {  	v12 =	vld [tilespmem:s24+$0xFFFFFF00];
	_ =	sdelay $0x4  }
0x1a1: {  	v12 =	vadd.s32 v6, v12;
	_ =	sdelay $0x4  }
0x1a2: {  	[tilespmem:v12+s16+$0x0] =	vst.idx.msk $0xffff, v1  }
0x1a3: {  	v12 =	vld [tilespmem:s24+$0xFFFFFF10];
	_ =	sdelay $0x4  }
0x1a4: {  	v12 =	vadd.s32 v7, v12;
	_ =	sdelay $0x4  }
0x1a5: {  	[tilespmem:v12+s16+$0x0] =	vst.idx.msk $0xffff, v1  }
0x1a6: {  	v12 =	vld [tilespmem:s24+$0xFFFFFF20];
	_ =	sdelay $0x4  }
0x1a7: {  	v12 =	vadd.s32 v8, v12;
	_ =	sdelay $0x4  }
0x1a8: {  	[tilespmem:v12+s16+$0x0] =	vst.idx.msk $0xffff, v1  }
0x1a9: {  	v12 =	vld [tilespmem:s24+$0xFFFFFF30];
	_ =	sdelay $0x4  }
0x1aa: {  	v12 =	vadd.s32 v9, v12;
	_ =	sdelay $0x4  }
0x1ab: {  	[tilespmem:v12+s16+$0x0] =	vst.idx.msk $0xffff, v1  }
0x1ac: {  	v12 =	vld [tilespmem:s24+$0xFFFFFF40];
	_ =	sdelay $0x4  }
0x1ad: {  	v12 =	vadd.s32 v10, v12;
	_ =	sdelay $0x4  }
0x1ae: {  	[tilespmem:v12+s16+$0x0] =	vst.idx.msk $0xffff, v1  }
0x1af: {  	v12 =	vld [tilespmem:s24+$0xFFFFFF50];
	_ =	sdelay $0x4  }
0x1b0: {  	v12 =	vadd.s32 v11, v12;
	_ =	sdelay $0x4  }
0x1b1: {  	[tilespmem:v12+s16+$0x0] =	vst.idx.msk $0xffff, v1  }
0x1b2: {  	v12 =	vld [tilespmem:s24+$0x140];
	_ =	sdelay $0x4  }
0x1b3: {  	v12 =	vadd.s32 v0, v12;
	_ =	sdelay $0x4  }
0x1b4: {  	[tilespmem:v12+s16+$0x0] =	vst.idx.msk $0xffff, v2  }
0x1b5: {  	v12 =	vld [tilespmem:s24+$0x150];
	_ =	sdelay $0x4  }
0x1b6: {  	v12 =	vadd.s32 v3, v12;
	_ =	sdelay $0x4  }
0x1b7: {  	[tilespmem:v12+s16+$0x0] =	vst.idx.msk $0xffff, v2  }
0x1b8: {  	v12 =	vld [tilespmem:s24+$0x160];
	_ =	sdelay $0x4  }
0x1b9: {  	v12 =	vadd.s32 v4, v12;
	_ =	sdelay $0x4  }
0x1ba: {  	[tilespmem:v12+s16+$0x0] =	vst.idx.msk $0xffff, v2  }
0x1bb: {  	v12 =	vld [tilespmem:s24+$0x170];
	_ =	sdelay $0x4  }
0x1bc: {  	v12 =	vadd.s32 v5, v12;
	_ =	sdelay $0x4  }
0x1bd: {  	[tilespmem:v12+s16+$0x0] =	vst.idx.msk $0xffff, v2  }
0x1be: {  	v12 =	vld [tilespmem:s24+$0x180];
	_ =	sdelay $0x4  }
0x1bf: {  	v12 =	vadd.s32 v6, v12;
	_ =	sdelay $0x4  }
0x1c0: {  	[tilespmem:v12+s16+$0x0] =	vst.idx.msk $0xffff, v2  }
0x1c1: {  	v12 =	vld [tilespmem:s24+$0x190];
	_ =	sdelay $0x4  }
0x1c2: {  	v12 =	vadd.s32 v7, v12;
	_ =	sdelay $0x4  }
0x1c3: {  	[tilespmem:v12+s16+$0x0] =	vst.idx.msk $0xffff, v2  }
0x1c4: {  	v12 =	vld [tilespmem:s24+$0x1A0];
	_ =	sdelay $0x4  }
0x1c5: {  	v12 =	vadd.s32 v8, v12;
	_ =	sdelay $0x4  }
0x1c6: {  	[tilespmem:v12+s16+$0x0] =	vst.idx.msk $0xffff, v2  }
0x1c7: {  	v12 =	vld [tilespmem:s24+$0x1B0];
	_ =	sdelay $0x4  }
0x1c8: {  	v12 =	vadd.s32 v9, v12;
	_ =	sdelay $0x4  }
0x1c9: {  	[tilespmem:v12+s16+$0x0] =	vst.idx.msk $0xffff, v2  }
0x1ca: {  	v12 =	vld [tilespmem:s24+$0x1C0];
	_ =	sdelay $0x4  }
0x1cb: {  	v12 =	vadd.s32 v10, v12;
	_ =	sdelay $0x4  }
0x1cc: {  	[tilespmem:v12+s16+$0x0] =	vst.idx.msk $0xffff, v2  }
0x1cd: {  	v12 =	vld [tilespmem:s24+$0x1D0];
	_ =	sdelay $0x4  }
0x1ce: {  	v12 =	vadd.s32 v11, v12;
	_ =	sdelay $0x4  }
0x1cf: {  	s30 =	sadd.s32 s23, s11;
	[tilespmem:v12+s16+$0x0] =	vst.idx.msk $0xffff, v2  }
0x1d0: {  	[hbm4b:s30+s2] =	stream.linear.scatter [tilespmem:s16], [sflag:$0x3], $0x5000, $0x38;
	[tilespmem:$0x1A400] =	vst v63  }
0x1d1: {  	_ =	swait.ge [sflag:s21], $0x5000  }
0x1d2: {  	[sflag:s21] =	ssyncset.done $0x0  }
0x1d3: {  	[sflag:s21] =	ssyncadd.s32 $0xFFFFB000  }
0x1d4: {  	v63 =	vld [tilespmem:s24+$0xFFFFFF60];
	_ =	sdelay $0x4  }
0x1d5: {  	v12 =	vadd.s32 v0, v63;
	_ =	sdelay $0x4  }
0x1d6: {  	[tilespmem:v12+s17+$0x0] =	vst.idx.msk $0xffff, v1  }
0x1d7: {  	v12 =	vld [tilespmem:s24+$0xFFFFFF70];
	_ =	sdelay $0x4  }
0x1d8: {  	v12 =	vadd.s32 v3, v12;
	_ =	sdelay $0x4  }
0x1d9: {  	[tilespmem:v12+s17+$0x0] =	vst.idx.msk $0xffff, v1  }
0x1da: {  	v12 =	vld [tilespmem:s24+$0xFFFFFF80];
	_ =	sdelay $0x4  }
0x1db: {  	v12 =	vadd.s32 v4, v12;
	_ =	sdelay $0x4  }
0x1dc: {  	[tilespmem:v12+s17+$0x0] =	vst.idx.msk $0xffff, v1  }
0x1dd: {  	v12 =	vld [tilespmem:s24+$0xFFFFFF90];
	_ =	sdelay $0x4  }
0x1de: {  	v12 =	vadd.s32 v5, v12;
	_ =	sdelay $0x4  }
0x1df: {  	[tilespmem:v12+s17+$0x0] =	vst.idx.msk $0xffff, v1  }
0x1e0: {  	v12 =	vld [tilespmem:s24+$0xFFFFFFA0];
	_ =	sdelay $0x4  }
0x1e1: {  	v12 =	vadd.s32 v6, v12;
	_ =	sdelay $0x4  }
0x1e2: {  	[tilespmem:v12+s17+$0x0] =	vst.idx.msk $0xffff, v1  }
0x1e3: {  	v12 =	vld [tilespmem:s24+$0xFFFFFFB0];
	_ =	sdelay $0x4  }
0x1e4: {  	v12 =	vadd.s32 v7, v12;
	_ =	sdelay $0x4  }
0x1e5: {  	[tilespmem:v12+s17+$0x0] =	vst.idx.msk $0xffff, v1  }
0x1e6: {  	v12 =	vld [tilespmem:s24+$0xFFFFFFC0];
	_ =	sdelay $0x4  }
0x1e7: {  	v12 =	vadd.s32 v8, v12;
	_ =	sdelay $0x4  }
0x1e8: {  	[tilespmem:v12+s17+$0x0] =	vst.idx.msk $0xffff, v1  }
0x1e9: {  	v12 =	vld [tilespmem:s24+$0xFFFFFFD0];
	_ =	sdelay $0x4  }
0x1ea: {  	v12 =	vadd.s32 v9, v12;
	_ =	sdelay $0x4  }
0x1eb: {  	[tilespmem:v12+s17+$0x0] =	vst.idx.msk $0xffff, v1  }
0x1ec: {  	v12 =	vld [tilespmem:s24+$0xFFFFFFE0];
	_ =	sdelay $0x4  }
0x1ed: {  	v12 =	vadd.s32 v10, v12;
	_ =	sdelay $0x4  }
0x1ee: {  	[tilespmem:v12+s17+$0x0] =	vst.idx.msk $0xffff, v1  }
0x1ef: {  	v12 =	vld [tilespmem:s24+$0xFFFFFFF0];
	_ =	sdelay $0x4  }
0x1f0: {  	v12 =	vadd.s32 v11, v12;
	_ =	sdelay $0x4  }
0x1f1: {  	[tilespmem:v12+s17+$0x0] =	vst.idx.msk $0xffff, v1  }
0x1f2: {  	v12 =	vld [tilespmem:s24+$0x1E0];
	_ =	sdelay $0x4  }
0x1f3: {  	v12 =	vadd.s32 v0, v12;
	_ =	sdelay $0x4  }
0x1f4: {  	[tilespmem:v12+s17+$0x0] =	vst.idx.msk $0xffff, v2  }
0x1f5: {  	v12 =	vld [tilespmem:s24+$0x1F0];
	_ =	sdelay $0x4  }
0x1f6: {  	v12 =	vadd.s32 v3, v12;
	_ =	sdelay $0x4  }
0x1f7: {  	[tilespmem:v12+s17+$0x0] =	vst.idx.msk $0xffff, v2  }
0x1f8: {  	v12 =	vld [tilespmem:s24+$0x200];
	_ =	sdelay $0x4  }
0x1f9: {  	v12 =	vadd.s32 v4, v12;
	_ =	sdelay $0x4  }
0x1fa: {  	[tilespmem:v12+s17+$0x0] =	vst.idx.msk $0xffff, v2  }
0x1fb: {  	v12 =	vld [tilespmem:s24+$0x210];
	_ =	sdelay $0x4  }
0x1fc: {  	v12 =	vadd.s32 v5, v12;
	_ =	sdelay $0x4  }
0x1fd: {  	[tilespmem:v12+s17+$0x0] =	vst.idx.msk $0xffff, v2  }
0x1fe: {  	v12 =	vld [tilespmem:s24+$0x220];
	_ =	sdelay $0x4  }
0x1ff: {  	v12 =	vadd.s32 v6, v12;
	_ =	sdelay $0x4  }
0x200: {  	[tilespmem:v12+s17+$0x0] =	vst.idx.msk $0xffff, v2  }
0x201: {  	v12 =	vld [tilespmem:s24+$0x230];
	_ =	sdelay $0x4  }
0x202: {  	v12 =	vadd.s32 v7, v12;
	_ =	sdelay $0x4  }
0x203: {  	[tilespmem:v12+s17+$0x0] =	vst.idx.msk $0xffff, v2  }
0x204: {  	v12 =	vld [tilespmem:s24+$0x240];
	_ =	sdelay $0x4  }
0x205: {  	v12 =	vadd.s32 v8, v12;
	_ =	sdelay $0x4  }
0x206: {  	[tilespmem:v12+s17+$0x0] =	vst.idx.msk $0xffff, v2  }
0x207: {  	v12 =	vld [tilespmem:s24+$0x250];
	_ =	sdelay $0x4  }
0x208: {  	v12 =	vadd.s32 v9, v12;
	_ =	sdelay $0x4  }
0x209: {  	[tilespmem:v12+s17+$0x0] =	vst.idx.msk $0xffff, v2  }
0x20a: {  	v12 =	vld [tilespmem:s24+$0x260];
	_ =	sdelay $0x4  }
0x20b: {  	v12 =	vadd.s32 v10, v12;
	_ =	sdelay $0x4  }
0x20c: {  	[tilespmem:v12+s17+$0x0] =	vst.idx.msk $0xffff, v2  }
0x20d: {  	v12 =	vld [tilespmem:s24+$0x270];
	_ =	sdelay $0x4  }
0x20e: {  	v12 =	vadd.s32 v11, v12  }
0x20f: {  	p0 =	sne.s32 s23, $0x5F000  }
.Ltmp4:
0x210: {  	_ = 	snop;
	(pc) =	sbr.rel @p0 .LBB2_10-.Ltmp4, $3  }
0x211: {  	_ =	sdelay $0x1  }
0x212: {  	s31 =	sadd.s32 s23, s10;
	s23 =	sadd.s32 $0x2800, s23;
	s24 =	sadd.s32 $0x280, s24;
	[tilespmem:v12+s17+$0x0] =	vst.idx.msk $0xffff, v2  }
0x213: {  	[hbm4b:s31+s2] =	stream.linear.scatter [tilespmem:s17], [sflag:$0x4], $0x5000, $0x38;
	[tilespmem:$0x1A400] =	vst v63  }
0x214: {  	_ =	swait.ge [sflag:s18], $0x5000  }
0x215: {  	[sflag:s18] =	ssyncset.done $0x0  }
0x216: {  	[sflag:s18] =	ssyncadd.s32 $0xFFFFB000  }
0x217: {  	_ =	swait.ge [sflag:s19], $0x5000  }
0x218: {  	[sflag:s19] =	ssyncset.done $0x0  }
0x219: {  	s22 =	sadd.s32 $0x1, s22;
	[sflag:s19] =	ssyncadd.s32 $0xFFFFB000  }
0x21a: {  	p0 =	sne.s32 s22, s8;
	_ =	swait.ge [sflag:s20], $0x5000  }
.Ltmp5:
0x21b: {  	[sflag:s20] =	ssyncset.done $0x0;
	(pc) =	sbr.rel @p0 .LBB2_1-.Ltmp5, $4  }
0x21c: {  	[sflag:s20] =	ssyncadd.s32 $0xFFFFB000  }
0x21d: {  	_ =	swait.ge [sflag:s21], $0x5000  }
0x21e: {  	[sflag:s21] =	ssyncset.done $0x0  }
0x21f: {  	[sflag:s21] =	ssyncadd.s32 $0xFFFFB000  }
0x220: {  	_ =	sfence.sel $0x180000  }
0x221: {  	[bflag:$0x0] =	sbarrier.arrive $0xFFFF  }
0x222: {  	p0 =	sne.s32 s0, $0x0;
	_ =	strace $0x90000047  }
0x223: {  	s0 =	sadd.s32 @!p0 $0x100000, s1;
	[bflag:$0x2] =	sbarrier.arrive $0xFFFF  }
0x224: {  	[sflag:s0] =	ssyncadd.tile.s32 @!p0 $0x1;
	_ =	shalt  }
.Lfunc_end2:
_tile_overlayer_lowered:
.L_overlay_start_2:
0x225: {  	(tag) =	ssettag $0x2  }
0x226: {  	s0 =	rddreg [dreg:$0x0];
	s2 =	stileid.u32  }
0x227: {  	s1 =	rddreg [dreg:$0x1];
	p0 =	sne.s32 s2, $0x0  }
0x228: {  	s3 =	rddreg [dreg:$0x2];
	[bflag:$0x3] =	sbarrier.arrive $0xFFFF;
	s2 =	simm.s32 @!p0 $0x1C06  }
0x229: {  	[timem:s3], [sflag:s2] =	dma.local @!p0 [hbm:s0], s1  }
0x22a: {  	s0 =	simm.s32 @!p0 $0x6  }
0x22b: {  	_ =	swait.ge @!p0 [sflag:s0], s1  }
0x22c: {  	s1 =	ssub.s32 @!p0 $0x0, s1;
	[sflag:s0] =	ssyncset.done @!p0 $0x0  }
0x22d: {  	[sflag:s0] =	ssyncadd.s32 @!p0 s1  }
0x22e: {  	[bflag:$0x3] =	sbarrier.arrive $0xFFFF  }
0x22f: {  	_ =	shalt  }

</sc_bundles>
